<compile_context>
chip_gen: v7x
topology: tpu7x:2x2x1
jax: 0.10.2.dev20260603
libtpu: 0.0.44.dev20260713+nightly
codegen_flags: <defaults>
</compile_context>

<pallas_src>
import functools

import jax
import jax.numpy as jnp
from jax import lax
from jax.experimental import pallas as pl
from jax.experimental.pallas import tpu as pltpu
from jax.experimental.pallas import tpu_sc as plsc

N = 10000
E = 320000
ATOM = 128
BOND = 16
HID = 128
RD = 128
NDEG = 6

NC = 2
NS = 16
NW = NC * NS
RPW = 320
NPAD = NW * RPW
TRASH = RPW
CH = 2000
NCHUNK = E // CH
GB = 64
CAP = CH + GB + 112


def _sc_segment_sums(x, src, dst, eattr8, z1, z2):
    mesh = plsc.VectorSubcoreMesh(core_axis_name="c", subcore_axis_name="s")

    @functools.partial(
        pl.kernel,
        out_type=(
            jax.ShapeDtypeStruct((NW, RPW, ATOM), jnp.float32),
            jax.ShapeDtypeStruct((NW, RPW, 32), jnp.float32),
        ),
        mesh=mesh,
        compiler_params=pltpu.CompilerParams(needs_layout_passes=False),
        scratch_types=[
            pltpu.VMEM((CH,), jnp.int32),
            pltpu.VMEM((CH,), jnp.int32),
            pltpu.VMEM((CAP,), jnp.int32),
            pltpu.VMEM((CAP,), jnp.int32),
            pltpu.VMEM((CAP,), jnp.int32),
            pltpu.VMEM((GB,), jnp.int32),
            pltpu.VMEM((GB, ATOM), jnp.float32),
            pltpu.VMEM((GB, ATOM), jnp.float32),
            pltpu.VMEM((RPW + 1, ATOM), jnp.float32),
            pltpu.VMEM((RPW + 1, 32), jnp.float32),
            pltpu.SemaphoreType.DMA,
        ],
    )
    def k(x_hbm, src_hbm, dst_hbm, ea_hbm, z1_hbm, z2_hbm,
          aggx_out, agge_out,
          dst_v, src_v, csrc, ceid, cdl, gidx, rows_x, rows_e,
          acc_x, acc_e, sem):
        cid = lax.axis_index("c")
        sid = lax.axis_index("s")
        wid = cid * NS + sid
        lo = wid * RPW
        pltpu.sync_copy(z1_hbm, acc_x)
        pltpu.sync_copy(z2_hbm, acc_e)
        iota = lax.iota(jnp.int32, 16)
        ones = jnp.full((16,), 1.0, jnp.float32)

        def chunk_body(ci, _):
            ebase = ci * CH
            pltpu.sync_copy(dst_hbm.at[pl.ds(ebase, CH)], dst_v)
            pltpu.sync_copy(src_hbm.at[pl.ds(ebase, CH)], src_v)

            def scan_body(i, cnt):
                d = dst_v[pl.ds(i * 16, 16)]
                s = src_v[pl.ds(i * 16, 16)]
                dl = d - lo
                m = (dl >= 0) & (dl < RPW)
                mi = m.astype(jnp.int32)
                pos_in = plsc.cumsum(mi) - 1
                pos = jnp.where(m, cnt + pos_in, CAP - 16 + iota)
                plsc.store_scatter(csrc, [pos], s)
                plsc.store_scatter(ceid, [pos], ebase + i * 16 + iota)
                plsc.store_scatter(cdl, [pos], jnp.where(m, dl, TRASH))
                c = plsc.all_reduce_population_count(m)
                return cnt + c[0]

            cnt = lax.fori_loop(0, CH // 16, scan_body, 0)

            for t in range(GB // 16):
                csrc[pl.ds(cnt + t * 16, 16)] = jnp.zeros((16,), jnp.int32)
                ceid[pl.ds(cnt + t * 16, 16)] = jnp.zeros((16,), jnp.int32)
                cdl[pl.ds(cnt + t * 16, 16)] = jnp.full((16,), TRASH, jnp.int32)

            nb = (cnt + GB - 1) // GB

            def batch_body(g, _):
                b0 = g * GB
                for t in range(GB // 16):
                    e16 = ceid[pl.ds(b0 + t * 16, 16)]
                    gidx[pl.ds(t * 16, 16)] = e16 >> 3
                SPLIT = 4
                SB = GB // SPLIT
                cps = []
                for sp in range(SPLIT):
                    cps.append(pltpu.async_copy(
                        x_hbm.at[csrc.at[pl.ds(b0 + sp * SB, SB)]],
                        rows_x.at[pl.ds(sp * SB, SB)], sem))
                    cps.append(pltpu.async_copy(
                        ea_hbm.at[gidx.at[pl.ds(sp * SB, SB)]],
                        rows_e.at[pl.ds(sp * SB, SB)], sem))
                for cp in cps:
                    cp.wait()

                def tbody(t, _2):
                    dl16 = cdl[pl.ds(b0 + t * 16, 16)]
                    e16 = ceid[pl.ds(b0 + t * 16, 16)]
                    rowb = t * 16 + iota
                    ecolb = (e16 & 7) * 16

                    def rbody(r, _3):
                        colr = (iota + r) & 15
                        for c in range(ATOM // 16):
                            v = plsc.load_gather(rows_x, [rowb, c * 16 + colr])
                            plsc.addupdate_scatter(
                                acc_x, [dl16, c * 16 + colr], v)
                        ev = plsc.load_gather(rows_e, [rowb, ecolb + colr])
                        plsc.addupdate_scatter(acc_e, [dl16, colr], ev)
                        return _3

                    lax.fori_loop(0, 16, rbody, 0)
                    plsc.addupdate_scatter(acc_e, [dl16, 16 + iota], ones)
                    return _2

                lax.fori_loop(0, GB // 16, tbody, 0)
                return _

            lax.fori_loop(0, nb, batch_body, 0)
            return _

        lax.fori_loop(0, NCHUNK, chunk_body, 0)
        pltpu.sync_copy(acc_x.at[pl.ds(0, RPW)], aggx_out.at[wid])
        pltpu.sync_copy(acc_e.at[pl.ds(0, RPW)], agge_out.at[wid])

    return k(x, src, dst, eattr8, z1, z2)


BT = 1000


def _tc_body(x_ref, ax_ref, ae_ref, woT_ref, wx_ref, we_ref,
             bd_ref, wrd_ref, brd_ref, out_ref):
    i = pl.program_id(0)
    xb = x_ref[...]
    rd1 = jax.nn.softmax(
        jnp.dot(xb, woT_ref[...], preferred_element_type=jnp.float32), axis=1)
    aggx = ax_ref[...]
    agge = ae_ref[...][:, :BOND]
    degf = jnp.sum(ae_ref[...][:, BOND:], axis=1)
    deg = jnp.minimum(degf, float(NDEG - 1))
    acc = jnp.zeros((BT, HID), jnp.float32)
    for d in range(NDEG):
        zd = (jnp.dot(aggx, wx_ref[d], preferred_element_type=jnp.float32)
              + jnp.dot(agge, we_ref[d], preferred_element_type=jnp.float32)
              + bd_ref[d][None, :])
        acc = acc + jnp.where((deg == float(d))[:, None], zd, 0.0)
    h = jax.nn.sigmoid(acc)
    rd2 = jax.nn.softmax(
        jnp.dot(h, wrd_ref[...], preferred_element_type=jnp.float32)
        + brd_ref[...], axis=1)
    part = jnp.sum(rd1 + rd2, axis=0)[None, :]

    @pl.when(i == 0)
    def _first():
        out_ref[...] = part

    @pl.when(i > 0)
    def _rest():
        out_ref[...] += part


def _tc_dense(x, aggx, agge32, W_oT, Wx, We, b_deg, W_rd, b_rd2):
    grid = (N // BT,)
    return pl.pallas_call(
        _tc_body,
        grid=grid,
        in_specs=[
            pl.BlockSpec((BT, ATOM), lambda i: (i, 0)),
            pl.BlockSpec((BT, ATOM), lambda i: (i, 0)),
            pl.BlockSpec((BT, 32), lambda i: (i, 0)),
            pl.BlockSpec((ATOM, RD), lambda i: (0, 0)),
            pl.BlockSpec((NDEG, ATOM, HID), lambda i: (0, 0, 0)),
            pl.BlockSpec((NDEG, BOND, HID), lambda i: (0, 0, 0)),
            pl.BlockSpec((NDEG, HID), lambda i: (0, 0)),
            pl.BlockSpec((HID, RD), lambda i: (0, 0)),
            pl.BlockSpec((1, RD), lambda i: (0, 0)),
        ],
        out_specs=pl.BlockSpec((1, RD), lambda i: (0, 0)),
        out_shape=jax.ShapeDtypeStruct((1, RD), jnp.float32),
    )(x, aggx, agge32, W_oT, Wx, We, b_deg, W_rd, b_rd2)


def kernel(x, edge_index, edge_attr, W_o, W_deg, b_deg, W_rd, b_rd):
    src = edge_index[0]
    dst = edge_index[1]
    eattr8 = edge_attr.reshape(E // 8, 128)
    z1 = jnp.zeros((RPW + 1, ATOM), jnp.float32)
    z2 = jnp.zeros((RPW + 1, 32), jnp.float32)
    aggx_o, agge_o = _sc_segment_sums(x, src, dst, eattr8, z1, z2)
    aggx = aggx_o.reshape(NPAD, ATOM)[:N]
    agge32 = agge_o.reshape(NPAD, 32)[:N]
    W_oT = W_o.T
    Wx = W_deg[:, :ATOM, :]
    We = W_deg[:, ATOM:, :]
    b_rd2 = b_rd[None, :]
    out = _tc_dense(x, aggx, agge32, W_oT, Wx, We, b_deg, W_rd, b_rd2)
    return out[0]

# --- scband reference (transcript-rebuilt; emitter-appended) ---
"""Pipeline reference for scband-duvenaud-nmp-40484361732767 (READ-ONLY COPY).

The authoritative reference and input builder live on the scoring server;
editing this copy changes nothing except your own understanding.
"""

import jax, jax.numpy as jnp
import numpy as np

N = 10000
E = 320000
ATOM = 128
BOND = 16
HID = 128
RD = 128
MAXDEG = 5


def setup_inputs(seed: int = 0) -> dict:
    key = jax.random.key(seed)
    ks = jax.random.split(key, 8)
    x = jax.random.normal(ks[0], (N, ATOM), dtype=jnp.float32)
    edge_index = jax.random.randint(ks[1], (2, E), 0, N, dtype=jnp.int32)
    edge_attr = jax.random.normal(ks[2], (E, BOND), dtype=jnp.float32)
    # W_o: readout projection (nn.Linear(atom_dim, readout_dim, bias=False))
    W_o = jax.random.normal(ks[3], (RD, ATOM), dtype=jnp.float32) / np.sqrt(ATOM)
    # Duvenaud degree-specific message weights: one (atom_dim+bond_dim)->hid matrix per degree bucket
    W_deg = jax.random.normal(ks[4], (MAXDEG + 1, ATOM + BOND, HID), dtype=jnp.float32) / np.sqrt(ATOM + BOND)
    b_deg = jnp.zeros((MAXDEG + 1, HID), dtype=jnp.float32)
    # Duvenaud update readout weights: hid -> readout_dim, softmax accumulated into 'rd'
    W_rd = jax.random.normal(ks[5], (HID, RD), dtype=jnp.float32) / np.sqrt(HID)
    b_rd = jnp.zeros((RD,), dtype=jnp.float32)
    return {"x": x, "edge_index": edge_index, "edge_attr": edge_attr,
            "W_o": W_o, "W_deg": W_deg, "b_deg": b_deg, "W_rd": W_rd, "b_rd": b_rd}


def reference(x, edge_index, edge_attr, W_o, W_deg, b_deg, W_rd, b_rd):
    n = x.shape[0]
    src = edge_index[0]
    dst = edge_index[1]
    # NMPLayer._update_nodes: resample is False (ftdim is None), so h = hv
    h = x
    # rd = softmax(W_o(h)) per node (Gilmer-style running readout)
    rd = jax.nn.softmax(h @ W_o.T, axis=1)
    # send_msg: message on each edge = concat(h_src, e_uv); reduce = sum over incoming edges
    msg = jnp.concatenate([jnp.take(h, src, axis=0), edge_attr], axis=1)  # [E, ATOM+BOND]
    agg = jax.ops.segment_sum(msg, dst, num_segments=n)  # [N, ATOM+BOND]
    # DuvenaudMsg: degree-specific linear + sigmoid nonlinearity
    deg = jnp.clip(jnp.bincount(dst, length=n), 0, W_deg.shape[0] - 1)  # [N]
    all_h = jnp.einsum('nf,dfh->dnh', agg, W_deg) + b_deg[:, None, :]  # [D, N, HID]
    idx = jnp.broadcast_to(deg[None, :, None], (1, n, all_h.shape[2]))
    h_new = jax.nn.sigmoid(jnp.take_along_axis(all_h, idx, axis=0)[0])  # [N, HID]
    # DuvenaudUpdate: rd += softmax(W_rd(h_new))
    rd = rd + jax.nn.softmax(h_new @ W_rd + b_rd, axis=1)
    # gather: dgl.sum_nodes(G, 'rd') over the (single) batched graph
    phi = jnp.sum(rd, axis=0)  # [RD]
    return phi

if __name__ == "__main__":
    import jax
    _d = setup_inputs()
    print(jax.jit(kernel)(*tuple(_d.values())))

</pallas_src>

<mosaic_0001>
#map = affine_map<(d0, d1) -> (0, 0)>
#map1 = affine_map<(d0, d1) -> (0)>
#map2 = affine_map<(d0, d1) -> (0, 0, 0)>
module attributes {stable_mosaic.version = 14 : i64} {
  func.func @k(%arg0: i32, %arg1: i32, %arg2: memref<10000x128xf32, #tpu.memory_space<hbm>>, %arg3: memref<320000xi32, #tpu.memory_space<hbm>>, %arg4: memref<320000xi32, #tpu.memory_space<hbm>>, %arg5: memref<40000x128xf32, #tpu.memory_space<hbm>>, %arg6: memref<321x128xf32, #tpu.memory_space<hbm>>, %arg7: memref<321x32xf32, #tpu.memory_space<hbm>>, %arg8: memref<32x320x128xf32, #tpu.memory_space<hbm>>, %arg9: memref<32x320x32xf32, #tpu.memory_space<hbm>>, %arg10: memref<2000xi32, #tpu.memory_space<vmem>>, %arg11: memref<2000xi32, #tpu.memory_space<vmem>>, %arg12: memref<2176xi32, #tpu.memory_space<vmem>>, %arg13: memref<2176xi32, #tpu.memory_space<vmem>>, %arg14: memref<2176xi32, #tpu.memory_space<vmem>>, %arg15: memref<64xi32, #tpu.memory_space<vmem>>, %arg16: memref<64x128xf32, #tpu.memory_space<vmem>>, %arg17: memref<64x128xf32, #tpu.memory_space<vmem>>, %arg18: memref<321x128xf32, #tpu.memory_space<vmem>>, %arg19: memref<321x32xf32, #tpu.memory_space<vmem>>, %arg20: memref<!tpu.dma_semaphore, #tpu.memory_space<semaphore_mem>>) attributes {dimension_semantics = [#tpu.dimension_semantics<core_parallel>, #tpu.dimension_semantics<subcore_parallel>], iteration_bounds = array<i64: 2, 16>, scalar_prefetch = 0 : i64, scratch_operands = 11 : i64, tpu.core_type = #tpu.core_type<sc_vector_subcore>, window_params = [{transform_indices = #map}, {transform_indices = #map1}, {transform_indices = #map1}, {transform_indices = #map}, {transform_indices = #map}, {transform_indices = #map}, {transform_indices = #map2}, {transform_indices = #map2}]} {
    %mul3A = arith.constant 16 : i32
    %mul3A_0 = arith.muli %arg0, %mul3A : i32
    %add3A = arith.addi %mul3A_0, %arg1 : i32
    %mul3A_1 = arith.constant 320 : i32
    %mul3A_2 = arith.muli %add3A, %mul3A_1 : i32
    "tpu.region"() ({
      %run_scoped3A = tpu.sem_alloc : memref<!tpu.dma_semaphore, #tpu.memory_space<semaphore_mem>>
      tpu.enqueue_dma source(%arg6 : memref<321x128xf32, #tpu.memory_space<hbm>>) target(%arg18 : memref<321x128xf32, #tpu.memory_space<vmem>>) target_semaphore(%run_scoped3A : memref<!tpu.dma_semaphore, #tpu.memory_space<semaphore_mem>>)
      tpu.wait_dma2 semaphore(%run_scoped3A : memref<!tpu.dma_semaphore, #tpu.memory_space<semaphore_mem>>) src(%arg6 : memref<321x128xf32, #tpu.memory_space<hbm>>) dst(%arg18 : memref<321x128xf32, #tpu.memory_space<vmem>>)
      tpu.yield
    }) : () -> ()
    "tpu.region"() ({
      %run_scoped3A = tpu.sem_alloc : memref<!tpu.dma_semaphore, #tpu.memory_space<semaphore_mem>>
      tpu.enqueue_dma source(%arg7 : memref<321x32xf32, #tpu.memory_space<hbm>>) target(%arg19 : memref<321x32xf32, #tpu.memory_space<vmem>>) target_semaphore(%run_scoped3A : memref<!tpu.dma_semaphore, #tpu.memory_space<semaphore_mem>>)
      tpu.wait_dma2 semaphore(%run_scoped3A : memref<!tpu.dma_semaphore, #tpu.memory_space<semaphore_mem>>) src(%arg7 : memref<321x32xf32, #tpu.memory_space<hbm>>) dst(%arg19 : memref<321x32xf32, #tpu.memory_space<vmem>>)
      tpu.yield
    }) : () -> ()
    %iota3A = tpu.iota {dimensions = array<i32: 0>} : vector<16xi32>
    %broadcast_in_dim3A = arith.constant 1.000000e+00 : f32
    %broadcast_in_dim3A_3 = vector.broadcast %broadcast_in_dim3A : f32 to vector<16xf32>
    %scan3A = arith.constant 0 : i32
    %scan3A_4 = arith.constant 0 : i32
    %scan3A_5 = arith.constant 160 : i32
    %scan3A_6 = arith.addi %scan3A_4, %scan3A_5 : i32
    %scan3A_7 = arith.constant 1 : i32
    scf.for %scan3A_9 = %scan3A_4 to %scan3A_6 step %scan3A_7  : i32 {
      %mul3A_10 = arith.constant 2000 : i32
      %mul3A_11 = arith.muli %scan3A_9, %mul3A_10 : i32
      "tpu.region"() ({
        %run_scoped3A = tpu.sem_alloc : memref<!tpu.dma_semaphore, #tpu.memory_space<semaphore_mem>>
        %dma_start3A = tpu.memref_slice %arg4[%mul3A_11] : memref<320000xi32, #tpu.memory_space<hbm>> -> memref<2000xi32, #tpu.memory_space<hbm>>
        %dma_start3A_119 = tpu.memref_slice %arg4[%mul3A_11] : memref<320000xi32, #tpu.memory_space<hbm>> -> memref<2000xi32, #tpu.memory_space<hbm>>
        tpu.enqueue_dma source(%dma_start3A_119 : memref<2000xi32, #tpu.memory_space<hbm>>) target(%arg10 : memref<2000xi32, #tpu.memory_space<vmem>>) target_semaphore(%run_scoped3A : memref<!tpu.dma_semaphore, #tpu.memory_space<semaphore_mem>>)
        %dma_wait3A = tpu.memref_slice %arg4[%mul3A_11] : memref<320000xi32, #tpu.memory_space<hbm>> -> memref<2000xi32, #tpu.memory_space<hbm>>
        %dma_wait3A_120 = tpu.memref_slice %arg4[%mul3A_11] : memref<320000xi32, #tpu.memory_space<hbm>> -> memref<2000xi32, #tpu.memory_space<hbm>>
        tpu.wait_dma2 semaphore(%run_scoped3A : memref<!tpu.dma_semaphore, #tpu.memory_space<semaphore_mem>>) src(%dma_wait3A_120 : memref<2000xi32, #tpu.memory_space<hbm>>) dst(%arg10 : memref<2000xi32, #tpu.memory_space<vmem>>)
        tpu.yield
      }) : () -> ()
      "tpu.region"() ({
        %run_scoped3A = tpu.sem_alloc : memref<!tpu.dma_semaphore, #tpu.memory_space<semaphore_mem>>
        %dma_start3A = tpu.memref_slice %arg3[%mul3A_11] : memref<320000xi32, #tpu.memory_space<hbm>> -> memref<2000xi32, #tpu.memory_space<hbm>>
        %dma_start3A_119 = tpu.memref_slice %arg3[%mul3A_11] : memref<320000xi32, #tpu.memory_space<hbm>> -> memref<2000xi32, #tpu.memory_space<hbm>>
        tpu.enqueue_dma source(%dma_start3A_119 : memref<2000xi32, #tpu.memory_space<hbm>>) target(%arg11 : memref<2000xi32, #tpu.memory_space<vmem>>) target_semaphore(%run_scoped3A : memref<!tpu.dma_semaphore, #tpu.memory_space<semaphore_mem>>)
        %dma_wait3A = tpu.memref_slice %arg3[%mul3A_11] : memref<320000xi32, #tpu.memory_space<hbm>> -> memref<2000xi32, #tpu.memory_space<hbm>>
        %dma_wait3A_120 = tpu.memref_slice %arg3[%mul3A_11] : memref<320000xi32, #tpu.memory_space<hbm>> -> memref<2000xi32, #tpu.memory_space<hbm>>
        tpu.wait_dma2 semaphore(%run_scoped3A : memref<!tpu.dma_semaphore, #tpu.memory_space<semaphore_mem>>) src(%dma_wait3A_120 : memref<2000xi32, #tpu.memory_space<hbm>>) dst(%arg11 : memref<2000xi32, #tpu.memory_space<vmem>>)
        tpu.yield
      }) : () -> ()
      %scan3A_12 = arith.constant 0 : i32
      %scan3A_13 = arith.constant 0 : i32
      %scan3A_14 = arith.constant 125 : i32
      %scan3A_15 = arith.addi %scan3A_13, %scan3A_14 : i32
      %scan3A_16 = arith.constant 1 : i32
      %scan3A_17 = scf.for %scan3A_119 = %scan3A_13 to %scan3A_15 step %scan3A_16 iter_args(%scan3A_120 = %scan3A_12) -> (i32)  : i32 {
        %mul3A_121 = arith.constant 16 : i32
        %mul3A_122 = arith.muli %scan3A_119, %mul3A_121 : i32
        %get3A = arith.index_cast %mul3A_122 : i32 to index
        %get3A_123 = tpu.vector_load %arg10[%get3A] {strides = array<i32>} : memref<2000xi32, #tpu.memory_space<vmem>>, vector<16xi32>,
        %mul3A_124 = arith.constant 16 : i32
        %mul3A_125 = arith.muli %scan3A_119, %mul3A_124 : i32
        %get3A_126 = arith.index_cast %mul3A_125 : i32 to index
        %get3A_127 = tpu.vector_load %arg11[%get3A_126] {strides = array<i32>} : memref<2000xi32, #tpu.memory_space<vmem>>, vector<16xi32>,
        %sub3A_128 = vector.broadcast %mul3A_2 : i32 to vector<16xi32>
        %sub3A_129 = arith.subi %get3A_123, %sub3A_128 : vector<16xi32>
        %ge3A = arith.constant 0 : i32
        %ge3A_130 = vector.broadcast %ge3A : i32 to vector<16xi32>
        %ge3A_131 = arith.cmpi sge, %sub3A_129, %ge3A_130 : vector<16xi32>
        %lt3A = arith.constant 320 : i32
        %lt3A_132 = vector.broadcast %lt3A : i32 to vector<16xi32>
        %lt3A_133 = arith.cmpi slt, %sub3A_129, %lt3A_132 : vector<16xi32>
        %and3A_134 = arith.andi %ge3A_131, %lt3A_133 : vector<16xi1>
        %convert_element_type3A = arith.extui %and3A_134 : vector<16xi1> to vector<16xi32>
        %broadcast_in_dim3A_135 = arith.constant true
        %broadcast_in_dim3A_136 = vector.broadcast %broadcast_in_dim3A_135 : i1 to vector<16xi1>
        %masked_cumsum3A = tpu.scan <sum>, %convert_element_type3A masked %broadcast_in_dim3A_136 : vector<16xi32>, vector<16xi1> -> vector<16xi32>
        %sub3A_137 = arith.constant 1 : i32
        %sub3A_138 = vector.broadcast %sub3A_137 : i32 to vector<16xi32>
        %sub3A_139 = arith.subi %masked_cumsum3A, %sub3A_138 : vector<16xi32>
        %add3A_140 = vector.broadcast %scan3A_120 : i32 to vector<16xi32>
        %add3A_141 = arith.addi %add3A_140, %sub3A_139 : vector<16xi32>
        %add3A_142 = arith.constant 2160 : i32
        %add3A_143 = vector.broadcast %add3A_142 : i32 to vector<16xi32>
        %add3A_144 = arith.addi %add3A_143, %iota3A : vector<16xi32>
        %select_n3A_145 = arith.select %and3A_134, %add3A_141, %add3A_144 : vector<16xi1>, vector<16xi32>
        tpu.vector_store_idx %arg12[%select_n3A_145], %get3A_127 : memref<2176xi32, #tpu.memory_space<vmem>>[vector<16xi32>], vector<16xi32>,
        %mul3A_146 = arith.constant 16 : i32
        %mul3A_147 = arith.muli %scan3A_119, %mul3A_146 : i32
        %add3A_148 = arith.addi %mul3A_11, %mul3A_147 : i32
        %add3A_149 = vector.broadcast %add3A_148 : i32 to vector<16xi32>
        %add3A_150 = arith.addi %add3A_149, %iota3A : vector<16xi32>
        tpu.vector_store_idx %arg13[%select_n3A_145], %add3A_150 : memref<2176xi32, #tpu.memory_space<vmem>>[vector<16xi32>], vector<16xi32>,
        %jit3A_151 = arith.constant 320 : i32
        %broadcast_in_dim3A_152 = vector.broadcast %jit3A_151 : i32 to vector<16xi32>
        %select_n3A_153 = arith.select %and3A_134, %sub3A_129, %broadcast_in_dim3A_152 : vector<16xi1>, vector<16xi32>
        tpu.vector_store_idx %arg14[%select_n3A_145], %select_n3A_153 : memref<2176xi32, #tpu.memory_space<vmem>>[vector<16xi32>], vector<16xi32>,
        %all_reduce_population_count3A = tpu.all_reduce %and3A_134 {dim = 0 : i64, kind = #tpu.reduction_kind<sum>} : vector<16xi1> -> vector<16xi32>
        %slice3A = vector.extract_strided_slice %all_reduce_population_count3A {offsets = [0], sizes = [1], strides = [1]} : vector<16xi32> to vector<1xi32>
        %squeeze3A = vector.extract %slice3A[0] : i32 from vector<1xi32>
        %add3A_154 = arith.addi %scan3A_120, %squeeze3A : i32
        scf.yield %add3A_154 : i32
      }
      %scan3A_18 = arith.constant 125 : i32
      %broadcast_in_dim3A_19 = arith.constant 0 : i32
      %broadcast_in_dim3A_20 = vector.broadcast %broadcast_in_dim3A_19 : i32 to vector<16xi32>
      %add3A_21 = arith.constant 0 : i32
      %add3A_22 = arith.addi %scan3A_17, %add3A_21 : i32
      %swap3A = arith.index_cast %add3A_22 : i32 to index
      %swap3A_23 = tpu.vector_load %arg12[%swap3A] {strides = array<i32>} : memref<2176xi32, #tpu.memory_space<vmem>>, vector<16xi32>,
      tpu.vector_store %arg12[%swap3A], %broadcast_in_dim3A_20 {strides = array<i32>} : memref<2176xi32, #tpu.memory_space<vmem>>, vector<16xi32>,
      %broadcast_in_dim3A_24 = arith.constant 0 : i32
      %broadcast_in_dim3A_25 = vector.broadcast %broadcast_in_dim3A_24 : i32 to vector<16xi32>
      %add3A_26 = arith.constant 0 : i32
      %add3A_27 = arith.addi %scan3A_17, %add3A_26 : i32
      %swap3A_28 = arith.index_cast %add3A_27 : i32 to index
      %swap3A_29 = tpu.vector_load %arg13[%swap3A_28] {strides = array<i32>} : memref<2176xi32, #tpu.memory_space<vmem>>, vector<16xi32>,
      tpu.vector_store %arg13[%swap3A_28], %broadcast_in_dim3A_25 {strides = array<i32>} : memref<2176xi32, #tpu.memory_space<vmem>>, vector<16xi32>,
      %broadcast_in_dim3A_30 = arith.constant 320 : i32
      %broadcast_in_dim3A_31 = vector.broadcast %broadcast_in_dim3A_30 : i32 to vector<16xi32>
      %add3A_32 = arith.constant 0 : i32
      %add3A_33 = arith.addi %scan3A_17, %add3A_32 : i32
      %swap3A_34 = arith.index_cast %add3A_33 : i32 to index
      %swap3A_35 = tpu.vector_load %arg14[%swap3A_34] {strides = array<i32>} : memref<2176xi32, #tpu.memory_space<vmem>>, vector<16xi32>,
      tpu.vector_store %arg14[%swap3A_34], %broadcast_in_dim3A_31 {strides = array<i32>} : memref<2176xi32, #tpu.memory_space<vmem>>, vector<16xi32>,
      %broadcast_in_dim3A_36 = arith.constant 0 : i32
      %broadcast_in_dim3A_37 = vector.broadcast %broadcast_in_dim3A_36 : i32 to vector<16xi32>
      %add3A_38 = arith.constant 16 : i32
      %add3A_39 = arith.addi %scan3A_17, %add3A_38 : i32
      %swap3A_40 = arith.index_cast %add3A_39 : i32 to index
      %swap3A_41 = tpu.vector_load %arg12[%swap3A_40] {strides = array<i32>} : memref<2176xi32, #tpu.memory_space<vmem>>, vector<16xi32>,
      tpu.vector_store %arg12[%swap3A_40], %broadcast_in_dim3A_37 {strides = array<i32>} : memref<2176xi32, #tpu.memory_space<vmem>>, vector<16xi32>,
      %broadcast_in_dim3A_42 = arith.constant 0 : i32
      %broadcast_in_dim3A_43 = vector.broadcast %broadcast_in_dim3A_42 : i32 to vector<16xi32>
      %add3A_44 = arith.constant 16 : i32
      %add3A_45 = arith.addi %scan3A_17, %add3A_44 : i32
      %swap3A_46 = arith.index_cast %add3A_45 : i32 to index
      %swap3A_47 = tpu.vector_load %arg13[%swap3A_46] {strides = array<i32>} : memref<2176xi32, #tpu.memory_space<vmem>>, vector<16xi32>,
      tpu.vector_store %arg13[%swap3A_46], %broadcast_in_dim3A_43 {strides = array<i32>} : memref<2176xi32, #tpu.memory_space<vmem>>, vector<16xi32>,
      %broadcast_in_dim3A_48 = arith.constant 320 : i32
      %broadcast_in_dim3A_49 = vector.broadcast %broadcast_in_dim3A_48 : i32 to vector<16xi32>
      %add3A_50 = arith.constant 16 : i32
      %add3A_51 = arith.addi %scan3A_17, %add3A_50 : i32
      %swap3A_52 = arith.index_cast %add3A_51 : i32 to index
      %swap3A_53 = tpu.vector_load %arg14[%swap3A_52] {strides = array<i32>} : memref<2176xi32, #tpu.memory_space<vmem>>, vector<16xi32>,
      tpu.vector_store %arg14[%swap3A_52], %broadcast_in_dim3A_49 {strides = array<i32>} : memref<2176xi32, #tpu.memory_space<vmem>>, vector<16xi32>,
      %broadcast_in_dim3A_54 = arith.constant 0 : i32
      %broadcast_in_dim3A_55 = vector.broadcast %broadcast_in_dim3A_54 : i32 to vector<16xi32>
      %add3A_56 = arith.constant 32 : i32
      %add3A_57 = arith.addi %scan3A_17, %add3A_56 : i32
      %swap3A_58 = arith.index_cast %add3A_57 : i32 to index
      %swap3A_59 = tpu.vector_load %arg12[%swap3A_58] {strides = array<i32>} : memref<2176xi32, #tpu.memory_space<vmem>>, vector<16xi32>,
      tpu.vector_store %arg12[%swap3A_58], %broadcast_in_dim3A_55 {strides = array<i32>} : memref<2176xi32, #tpu.memory_space<vmem>>, vector<16xi32>,
      %broadcast_in_dim3A_60 = arith.constant 0 : i32
      %broadcast_in_dim3A_61 = vector.broadcast %broadcast_in_dim3A_60 : i32 to vector<16xi32>
      %add3A_62 = arith.constant 32 : i32
      %add3A_63 = arith.addi %scan3A_17, %add3A_62 : i32
      %swap3A_64 = arith.index_cast %add3A_63 : i32 to index
      %swap3A_65 = tpu.vector_load %arg13[%swap3A_64] {strides = array<i32>} : memref<2176xi32, #tpu.memory_space<vmem>>, vector<16xi32>,
      tpu.vector_store %arg13[%swap3A_64], %broadcast_in_dim3A_61 {strides = array<i32>} : memref<2176xi32, #tpu.memory_space<vmem>>, vector<16xi32>,
      %broadcast_in_dim3A_66 = arith.constant 320 : i32
      %broadcast_in_dim3A_67 = vector.broadcast %broadcast_in_dim3A_66 : i32 to vector<16xi32>
      %add3A_68 = arith.constant 32 : i32
      %add3A_69 = arith.addi %scan3A_17, %add3A_68 : i32
      %swap3A_70 = arith.index_cast %add3A_69 : i32 to index
      %swap3A_71 = tpu.vector_load %arg14[%swap3A_70] {strides = array<i32>} : memref<2176xi32, #tpu.memory_space<vmem>>, vector<16xi32>,
      tpu.vector_store %arg14[%swap3A_70], %broadcast_in_dim3A_67 {strides = array<i32>} : memref<2176xi32, #tpu.memory_space<vmem>>, vector<16xi32>,
      %broadcast_in_dim3A_72 = arith.constant 0 : i32
      %broadcast_in_dim3A_73 = vector.broadcast %broadcast_in_dim3A_72 : i32 to vector<16xi32>
      %add3A_74 = arith.constant 48 : i32
      %add3A_75 = arith.addi %scan3A_17, %add3A_74 : i32
      %swap3A_76 = arith.index_cast %add3A_75 : i32 to index
      %swap3A_77 = tpu.vector_load %arg12[%swap3A_76] {strides = array<i32>} : memref<2176xi32, #tpu.memory_space<vmem>>, vector<16xi32>,
      tpu.vector_store %arg12[%swap3A_76], %broadcast_in_dim3A_73 {strides = array<i32>} : memref<2176xi32, #tpu.memory_space<vmem>>, vector<16xi32>,
      %broadcast_in_dim3A_78 = arith.constant 0 : i32
      %broadcast_in_dim3A_79 = vector.broadcast %broadcast_in_dim3A_78 : i32 to vector<16xi32>
      %add3A_80 = arith.constant 48 : i32
      %add3A_81 = arith.addi %scan3A_17, %add3A_80 : i32
      %swap3A_82 = arith.index_cast %add3A_81 : i32 to index
      %swap3A_83 = tpu.vector_load %arg13[%swap3A_82] {strides = array<i32>} : memref<2176xi32, #tpu.memory_space<vmem>>, vector<16xi32>,
      tpu.vector_store %arg13[%swap3A_82], %broadcast_in_dim3A_79 {strides = array<i32>} : memref<2176xi32, #tpu.memory_space<vmem>>, vector<16xi32>,
      %broadcast_in_dim3A_84 = arith.constant 320 : i32
      %broadcast_in_dim3A_85 = vector.broadcast %broadcast_in_dim3A_84 : i32 to vector<16xi32>
      %add3A_86 = arith.constant 48 : i32
      %add3A_87 = arith.addi %scan3A_17, %add3A_86 : i32
      %swap3A_88 = arith.index_cast %add3A_87 : i32 to index
      %swap3A_89 = tpu.vector_load %arg14[%swap3A_88] {strides = array<i32>} : memref<2176xi32, #tpu.memory_space<vmem>>, vector<16xi32>,
      tpu.vector_store %arg14[%swap3A_88], %broadcast_in_dim3A_85 {strides = array<i32>} : memref<2176xi32, #tpu.memory_space<vmem>>, vector<16xi32>,
      %add3A_90 = arith.constant 64 : i32
      %add3A_91 = arith.addi %scan3A_17, %add3A_90 : i32
      %sub3A = arith.constant 1 : i32
      %sub3A_92 = arith.subi %add3A_91, %sub3A : i32
      %jit3A = arith.constant 64 : i32
      %div3A = arith.divsi %sub3A_92, %jit3A : i32
      %sign3A = arith.constant 0 : i32
      %sign3A_93 = arith.cmpi sgt, %sub3A_92, %sign3A : i32
      %sign3A_94 = arith.extui %sign3A_93 : i1 to i32
      %sign3A_95 = arith.constant 0 : i32
      %sign3A_96 = arith.cmpi slt, %sub3A_92, %sign3A_95 : i32
      %sign3A_97 = arith.extui %sign3A_96 : i1 to i32
      %sign3A_98 = arith.subi %sign3A_94, %sign3A_97 : i32
      %sign3A_99 = arith.constant 0 : i32
      %sign3A_100 = arith.cmpi sgt, %jit3A, %sign3A_99 : i32
      %sign3A_101 = arith.extui %sign3A_100 : i1 to i32
      %sign3A_102 = arith.constant 0 : i32
      %sign3A_103 = arith.cmpi slt, %jit3A, %sign3A_102 : i32
      %sign3A_104 = arith.extui %sign3A_103 : i1 to i32
      %sign3A_105 = arith.subi %sign3A_101, %sign3A_104 : i32
      %ne3A = arith.cmpi ne, %sign3A_98, %sign3A_105 : i32
      %rem3A = arith.remsi %sub3A_92, %jit3A : i32
      %ne3A_106 = arith.constant 0 : i32
      %ne3A_107 = arith.cmpi ne, %rem3A, %ne3A_106 : i32
      %and3A = arith.andi %ne3A, %ne3A_107 : i1
      %sub3A_108 = arith.constant 1 : i32
      %sub3A_109 = arith.subi %div3A, %sub3A_108 : i32
      %select_n3A = arith.select %and3A, %sub3A_109, %div3A : i32
      %while3A = arith.constant 0 : i32
      %while3A_110 = arith.constant 0 : i32
      %while3A_111 = arith.subi %select_n3A, %while3A_110 : i32
      %while3A_112 = arith.addi %while3A_110, %while3A_111 : i32
      %while3A_113 = arith.constant 1 : i32
      %while3A_114 = arith.divsi %while3A_111, %while3A_113 : i32
      %while3A_115 = arith.muli %while3A_114, %while3A_113 : i32
      %while3A_116 = arith.addi %while3A_110, %while3A_115 : i32
      %while3A_117 = arith.constant 1 : i32
      scf.for %while3A_119 = %while3A_110 to %while3A_116 step %while3A_117  : i32 {
        %mul3A_120 = arith.constant 64 : i32
        %mul3A_121 = arith.muli %while3A_119, %mul3A_120 : i32
        %add3A_122 = arith.constant 0 : i32
        %add3A_123 = arith.addi %mul3A_121, %add3A_122 : i32
        %get3A = arith.index_cast %add3A_123 : i32 to index
        %get3A_124 = tpu.vector_load %arg13[%get3A] {strides = array<i32>} : memref<2176xi32, #tpu.memory_space<vmem>>, vector<16xi32>,
        %shift_right_arithmetic3A = arith.constant 3 : i32
        %shift_right_arithmetic3A_125 = vector.broadcast %shift_right_arithmetic3A : i32 to vector<16xi32>
        %shift_right_arithmetic3A_126 = arith.shrsi %get3A_124, %shift_right_arithmetic3A_125 : vector<16xi32>
        %swap3A_127 = arith.constant 0 : index
        %swap3A_128 = tpu.vector_load %arg15[%swap3A_127] {strides = array<i32>} : memref<64xi32, #tpu.memory_space<vmem>>, vector<16xi32>,
        tpu.vector_store %arg15[%swap3A_127], %shift_right_arithmetic3A_126 {strides = array<i32>} : memref<64xi32, #tpu.memory_space<vmem>>, vector<16xi32>,
        %add3A_129 = arith.constant 16 : i32
        %add3A_130 = arith.addi %mul3A_121, %add3A_129 : i32
        %get3A_131 = arith.index_cast %add3A_130 : i32 to index
        %get3A_132 = tpu.vector_load %arg13[%get3A_131] {strides = array<i32>} : memref<2176xi32, #tpu.memory_space<vmem>>, vector<16xi32>,
        %shift_right_arithmetic3A_133 = arith.constant 3 : i32
        %shift_right_arithmetic3A_134 = vector.broadcast %shift_right_arithmetic3A_133 : i32 to vector<16xi32>
        %shift_right_arithmetic3A_135 = arith.shrsi %get3A_132, %shift_right_arithmetic3A_134 : vector<16xi32>
        %swap3A_136 = arith.constant 16 : index
        %swap3A_137 = tpu.vector_load %arg15[%swap3A_136] {strides = array<i32>} : memref<64xi32, #tpu.memory_space<vmem>>, vector<16xi32>,
        tpu.vector_store %arg15[%swap3A_136], %shift_right_arithmetic3A_135 {strides = array<i32>} : memref<64xi32, #tpu.memory_space<vmem>>, vector<16xi32>,
        %add3A_138 = arith.constant 32 : i32
        %add3A_139 = arith.addi %mul3A_121, %add3A_138 : i32
        %get3A_140 = arith.index_cast %add3A_139 : i32 to index
        %get3A_141 = tpu.vector_load %arg13[%get3A_140] {strides = array<i32>} : memref<2176xi32, #tpu.memory_space<vmem>>, vector<16xi32>,
        %shift_right_arithmetic3A_142 = arith.constant 3 : i32
        %shift_right_arithmetic3A_143 = vector.broadcast %shift_right_arithmetic3A_142 : i32 to vector<16xi32>
        %shift_right_arithmetic3A_144 = arith.shrsi %get3A_141, %shift_right_arithmetic3A_143 : vector<16xi32>
        %swap3A_145 = arith.constant 32 : index
        %swap3A_146 = tpu.vector_load %arg15[%swap3A_145] {strides = array<i32>} : memref<64xi32, #tpu.memory_space<vmem>>, vector<16xi32>,
        tpu.vector_store %arg15[%swap3A_145], %shift_right_arithmetic3A_144 {strides = array<i32>} : memref<64xi32, #tpu.memory_space<vmem>>, vector<16xi32>,
        %add3A_147 = arith.constant 48 : i32
        %add3A_148 = arith.addi %mul3A_121, %add3A_147 : i32
        %get3A_149 = arith.index_cast %add3A_148 : i32 to index
        %get3A_150 = tpu.vector_load %arg13[%get3A_149] {strides = array<i32>} : memref<2176xi32, #tpu.memory_space<vmem>>, vector<16xi32>,
        %shift_right_arithmetic3A_151 = arith.constant 3 : i32
        %shift_right_arithmetic3A_152 = vector.broadcast %shift_right_arithmetic3A_151 : i32 to vector<16xi32>
        %shift_right_arithmetic3A_153 = arith.shrsi %get3A_150, %shift_right_arithmetic3A_152 : vector<16xi32>
        %swap3A_154 = arith.constant 48 : index
        %swap3A_155 = tpu.vector_load %arg15[%swap3A_154] {strides = array<i32>} : memref<64xi32, #tpu.memory_space<vmem>>, vector<16xi32>,
        tpu.vector_store %arg15[%swap3A_154], %shift_right_arithmetic3A_153 {strides = array<i32>} : memref<64xi32, #tpu.memory_space<vmem>>, vector<16xi32>,
        %add3A_156 = arith.constant 0 : i32
        %add3A_157 = arith.addi %mul3A_121, %add3A_156 : i32
        %dma_start3A = arith.constant 0 : i32
        %dma_start3A_158 = arith.constant 0 : i32
        %dma_start3A_159 = tpu.memref_slice %arg16[%dma_start3A, %dma_start3A_158] : memref<64x128xf32, #tpu.memory_space<vmem>> -> memref<16x128xf32, #tpu.memory_space<vmem>>
        %dma_start3A_160 = tpu.memref_slice %arg12[%add3A_157] : memref<2176xi32, #tpu.memory_space<vmem>> -> memref<16xi32, #tpu.memory_space<vmem>>
        %dma_start3A_161 = arith.constant 0 : i32
        %dma_start3A_162 = arith.constant 0 : i32
        %dma_start3A_163 = tpu.memref_slice %arg2[%dma_start3A_161, %dma_start3A_162] : memref<10000x128xf32, #tpu.memory_space<hbm>> -> memref<10000x128xf32, #tpu.memory_space<hbm>>
        tpu.enqueue_indirect_dma source(%dma_start3A_163 : memref<10000x128xf32, #tpu.memory_space<hbm>>) target(%dma_start3A_159 : memref<16x128xf32, #tpu.memory_space<vmem>>) offsets(%dma_start3A_160 : memref<16xi32, #tpu.memory_space<vmem>>) semaphore(%arg20 : memref<!tpu.dma_semaphore, #tpu.memory_space<semaphore_mem>>)
        %dma_start3A_164 = arith.constant 0 : i32
        %dma_start3A_165 = arith.constant 0 : i32
        %dma_start3A_166 = tpu.memref_slice %arg17[%dma_start3A_164, %dma_start3A_165] : memref<64x128xf32, #tpu.memory_space<vmem>> -> memref<16x128xf32, #tpu.memory_space<vmem>>
        %dma_start3A_167 = arith.constant 0 : i32
        %dma_start3A_168 = tpu.memref_slice %arg15[%dma_start3A_167] : memref<64xi32, #tpu.memory_space<vmem>> -> memref<16xi32, #tpu.memory_space<vmem>>
        %dma_start3A_169 = arith.constant 0 : i32
        %dma_start3A_170 = arith.constant 0 : i32
        %dma_start3A_171 = tpu.memref_slice %arg5[%dma_start3A_169, %dma_start3A_170] : memref<40000x128xf32, #tpu.memory_space<hbm>> -> memref<40000x128xf32, #tpu.memory_space<hbm>>
        tpu.enqueue_indirect_dma source(%dma_start3A_171 : memref<40000x128xf32, #tpu.memory_space<hbm>>) target(%dma_start3A_166 : memref<16x128xf32, #tpu.memory_space<vmem>>) offsets(%dma_start3A_168 : memref<16xi32, #tpu.memory_space<vmem>>) semaphore(%arg20 : memref<!tpu.dma_semaphore, #tpu.memory_space<semaphore_mem>>)
        %add3A_172 = arith.constant 16 : i32
        %add3A_173 = arith.addi %mul3A_121, %add3A_172 : i32
        %dma_start3A_174 = arith.constant 16 : i32
        %dma_start3A_175 = arith.constant 0 : i32
        %dma_start3A_176 = tpu.memref_slice %arg16[%dma_start3A_174, %dma_start3A_175] : memref<64x128xf32, #tpu.memory_space<vmem>> -> memref<16x128xf32, #tpu.memory_space<vmem>>
        %dma_start3A_177 = tpu.memref_slice %arg12[%add3A_173] : memref<2176xi32, #tpu.memory_space<vmem>> -> memref<16xi32, #tpu.memory_space<vmem>>
        %dma_start3A_178 = arith.constant 0 : i32
        %dma_start3A_179 = arith.constant 0 : i32
        %dma_start3A_180 = tpu.memref_slice %arg2[%dma_start3A_178, %dma_start3A_179] : memref<10000x128xf32, #tpu.memory_space<hbm>> -> memref<10000x128xf32, #tpu.memory_space<hbm>>
        tpu.enqueue_indirect_dma source(%dma_start3A_180 : memref<10000x128xf32, #tpu.memory_space<hbm>>) target(%dma_start3A_176 : memref<16x128xf32, #tpu.memory_space<vmem>>) offsets(%dma_start3A_177 : memref<16xi32, #tpu.memory_space<vmem>>) semaphore(%arg20 : memref<!tpu.dma_semaphore, #tpu.memory_space<semaphore_mem>>)
        %dma_start3A_181 = arith.constant 16 : i32
        %dma_start3A_182 = arith.constant 0 : i32
        %dma_start3A_183 = tpu.memref_slice %arg17[%dma_start3A_181, %dma_start3A_182] : memref<64x128xf32, #tpu.memory_space<vmem>> -> memref<16x128xf32, #tpu.memory_space<vmem>>
        %dma_start3A_184 = arith.constant 16 : i32
        %dma_start3A_185 = tpu.memref_slice %arg15[%dma_start3A_184] : memref<64xi32, #tpu.memory_space<vmem>> -> memref<16xi32, #tpu.memory_space<vmem>>
        %dma_start3A_186 = arith.constant 0 : i32
        %dma_start3A_187 = arith.constant 0 : i32
        %dma_start3A_188 = tpu.memref_slice %arg5[%dma_start3A_186, %dma_start3A_187] : memref<40000x128xf32, #tpu.memory_space<hbm>> -> memref<40000x128xf32, #tpu.memory_space<hbm>>
        tpu.enqueue_indirect_dma source(%dma_start3A_188 : memref<40000x128xf32, #tpu.memory_space<hbm>>) target(%dma_start3A_183 : memref<16x128xf32, #tpu.memory_space<vmem>>) offsets(%dma_start3A_185 : memref<16xi32, #tpu.memory_space<vmem>>) semaphore(%arg20 : memref<!tpu.dma_semaphore, #tpu.memory_space<semaphore_mem>>)
        %add3A_189 = arith.constant 32 : i32
        %add3A_190 = arith.addi %mul3A_121, %add3A_189 : i32
        %dma_start3A_191 = arith.constant 32 : i32
        %dma_start3A_192 = arith.constant 0 : i32
        %dma_start3A_193 = tpu.memref_slice %arg16[%dma_start3A_191, %dma_start3A_192] : memref<64x128xf32, #tpu.memory_space<vmem>> -> memref<16x128xf32, #tpu.memory_space<vmem>>
        %dma_start3A_194 = tpu.memref_slice %arg12[%add3A_190] : memref<2176xi32, #tpu.memory_space<vmem>> -> memref<16xi32, #tpu.memory_space<vmem>>
        %dma_start3A_195 = arith.constant 0 : i32
        %dma_start3A_196 = arith.constant 0 : i32
        %dma_start3A_197 = tpu.memref_slice %arg2[%dma_start3A_195, %dma_start3A_196] : memref<10000x128xf32, #tpu.memory_space<hbm>> -> memref<10000x128xf32, #tpu.memory_space<hbm>>
        tpu.enqueue_indirect_dma source(%dma_start3A_197 : memref<10000x128xf32, #tpu.memory_space<hbm>>) target(%dma_start3A_193 : memref<16x128xf32, #tpu.memory_space<vmem>>) offsets(%dma_start3A_194 : memref<16xi32, #tpu.memory_space<vmem>>) semaphore(%arg20 : memref<!tpu.dma_semaphore, #tpu.memory_space<semaphore_mem>>)
        %dma_start3A_198 = arith.constant 32 : i32
        %dma_start3A_199 = arith.constant 0 : i32
        %dma_start3A_200 = tpu.memref_slice %arg17[%dma_start3A_198, %dma_start3A_199] : memref<64x128xf32, #tpu.memory_space<vmem>> -> memref<16x128xf32, #tpu.memory_space<vmem>>
        %dma_start3A_201 = arith.constant 32 : i32
        %dma_start3A_202 = tpu.memref_slice %arg15[%dma_start3A_201] : memref<64xi32, #tpu.memory_space<vmem>> -> memref<16xi32, #tpu.memory_space<vmem>>
        %dma_start3A_203 = arith.constant 0 : i32
        %dma_start3A_204 = arith.constant 0 : i32
        %dma_start3A_205 = tpu.memref_slice %arg5[%dma_start3A_203, %dma_start3A_204] : memref<40000x128xf32, #tpu.memory_space<hbm>> -> memref<40000x128xf32, #tpu.memory_space<hbm>>
        tpu.enqueue_indirect_dma source(%dma_start3A_205 : memref<40000x128xf32, #tpu.memory_space<hbm>>) target(%dma_start3A_200 : memref<16x128xf32, #tpu.memory_space<vmem>>) offsets(%dma_start3A_202 : memref<16xi32, #tpu.memory_space<vmem>>) semaphore(%arg20 : memref<!tpu.dma_semaphore, #tpu.memory_space<semaphore_mem>>)
        %add3A_206 = arith.constant 48 : i32
        %add3A_207 = arith.addi %mul3A_121, %add3A_206 : i32
        %dma_start3A_208 = arith.constant 48 : i32
        %dma_start3A_209 = arith.constant 0 : i32
        %dma_start3A_210 = tpu.memref_slice %arg16[%dma_start3A_208, %dma_start3A_209] : memref<64x128xf32, #tpu.memory_space<vmem>> -> memref<16x128xf32, #tpu.memory_space<vmem>>
        %dma_start3A_211 = tpu.memref_slice %arg12[%add3A_207] : memref<2176xi32, #tpu.memory_space<vmem>> -> memref<16xi32, #tpu.memory_space<vmem>>
        %dma_start3A_212 = arith.constant 0 : i32
        %dma_start3A_213 = arith.constant 0 : i32
        %dma_start3A_214 = tpu.memref_slice %arg2[%dma_start3A_212, %dma_start3A_213] : memref<10000x128xf32, #tpu.memory_space<hbm>> -> memref<10000x128xf32, #tpu.memory_space<hbm>>
        tpu.enqueue_indirect_dma source(%dma_start3A_214 : memref<10000x128xf32, #tpu.memory_space<hbm>>) target(%dma_start3A_210 : memref<16x128xf32, #tpu.memory_space<vmem>>) offsets(%dma_start3A_211 : memref<16xi32, #tpu.memory_space<vmem>>) semaphore(%arg20 : memref<!tpu.dma_semaphore, #tpu.memory_space<semaphore_mem>>)
        %dma_start3A_215 = arith.constant 48 : i32
        %dma_start3A_216 = arith.constant 0 : i32
        %dma_start3A_217 = tpu.memref_slice %arg17[%dma_start3A_215, %dma_start3A_216] : memref<64x128xf32, #tpu.memory_space<vmem>> -> memref<16x128xf32, #tpu.memory_space<vmem>>
        %dma_start3A_218 = arith.constant 48 : i32
        %dma_start3A_219 = tpu.memref_slice %arg15[%dma_start3A_218] : memref<64xi32, #tpu.memory_space<vmem>> -> memref<16xi32, #tpu.memory_space<vmem>>
        %dma_start3A_220 = arith.constant 0 : i32
        %dma_start3A_221 = arith.constant 0 : i32
        %dma_start3A_222 = tpu.memref_slice %arg5[%dma_start3A_220, %dma_start3A_221] : memref<40000x128xf32, #tpu.memory_space<hbm>> -> memref<40000x128xf32, #tpu.memory_space<hbm>>
        tpu.enqueue_indirect_dma source(%dma_start3A_222 : memref<40000x128xf32, #tpu.memory_space<hbm>>) target(%dma_start3A_217 : memref<16x128xf32, #tpu.memory_space<vmem>>) offsets(%dma_start3A_219 : memref<16xi32, #tpu.memory_space<vmem>>) semaphore(%arg20 : memref<!tpu.dma_semaphore, #tpu.memory_space<semaphore_mem>>)
        %dma_wait3A = arith.constant 0 : i32
        %dma_wait3A_223 = arith.constant 0 : i32
        %dma_wait3A_224 = tpu.memref_slice %arg16[%dma_wait3A, %dma_wait3A_223] : memref<64x128xf32, #tpu.memory_space<vmem>> -> memref<16x128xf32, #tpu.memory_space<vmem>>
        %dma_wait3A_225 = tpu.memref_slice %arg12[%add3A_157] : memref<2176xi32, #tpu.memory_space<vmem>> -> memref<16xi32, #tpu.memory_space<vmem>>
        %dma_wait3A_226 = arith.constant 0 : i32
        %dma_wait3A_227 = arith.constant 0 : i32
        %dma_wait3A_228 = tpu.memref_slice %arg2[%dma_wait3A_226, %dma_wait3A_227] : memref<10000x128xf32, #tpu.memory_space<hbm>> -> memref<10000x128xf32, #tpu.memory_space<hbm>>
        tpu.wait_indirect_dma semaphore(%arg20 : memref<!tpu.dma_semaphore, #tpu.memory_space<semaphore_mem>>) src(%dma_wait3A_228 : memref<10000x128xf32, #tpu.memory_space<hbm>>) dst(%dma_wait3A_224 : memref<16x128xf32, #tpu.memory_space<vmem>>)
        %dma_wait3A_229 = arith.constant 0 : i32
        %dma_wait3A_230 = arith.constant 0 : i32
        %dma_wait3A_231 = tpu.memref_slice %arg17[%dma_wait3A_229, %dma_wait3A_230] : memref<64x128xf32, #tpu.memory_space<vmem>> -> memref<16x128xf32, #tpu.memory_space<vmem>>
        %dma_wait3A_232 = arith.constant 0 : i32
        %dma_wait3A_233 = tpu.memref_slice %arg15[%dma_wait3A_232] : memref<64xi32, #tpu.memory_space<vmem>> -> memref<16xi32, #tpu.memory_space<vmem>>
        %dma_wait3A_234 = arith.constant 0 : i32
        %dma_wait3A_235 = arith.constant 0 : i32
        %dma_wait3A_236 = tpu.memref_slice %arg5[%dma_wait3A_234, %dma_wait3A_235] : memref<40000x128xf32, #tpu.memory_space<hbm>> -> memref<40000x128xf32, #tpu.memory_space<hbm>>
        tpu.wait_indirect_dma semaphore(%arg20 : memref<!tpu.dma_semaphore, #tpu.memory_space<semaphore_mem>>) src(%dma_wait3A_236 : memref<40000x128xf32, #tpu.memory_space<hbm>>) dst(%dma_wait3A_231 : memref<16x128xf32, #tpu.memory_space<vmem>>)
        %dma_wait3A_237 = arith.constant 16 : i32
        %dma_wait3A_238 = arith.constant 0 : i32
        %dma_wait3A_239 = tpu.memref_slice %arg16[%dma_wait3A_237, %dma_wait3A_238] : memref<64x128xf32, #tpu.memory_space<vmem>> -> memref<16x128xf32, #tpu.memory_space<vmem>>
        %dma_wait3A_240 = tpu.memref_slice %arg12[%add3A_173] : memref<2176xi32, #tpu.memory_space<vmem>> -> memref<16xi32, #tpu.memory_space<vmem>>
        %dma_wait3A_241 = arith.constant 0 : i32
        %dma_wait3A_242 = arith.constant 0 : i32
        %dma_wait3A_243 = tpu.memref_slice %arg2[%dma_wait3A_241, %dma_wait3A_242] : memref<10000x128xf32, #tpu.memory_space<hbm>> -> memref<10000x128xf32, #tpu.memory_space<hbm>>
        tpu.wait_indirect_dma semaphore(%arg20 : memref<!tpu.dma_semaphore, #tpu.memory_space<semaphore_mem>>) src(%dma_wait3A_243 : memref<10000x128xf32, #tpu.memory_space<hbm>>) dst(%dma_wait3A_239 : memref<16x128xf32, #tpu.memory_space<vmem>>)
        %dma_wait3A_244 = arith.constant 16 : i32
        %dma_wait3A_245 = arith.constant 0 : i32
        %dma_wait3A_246 = tpu.memref_slice %arg17[%dma_wait3A_244, %dma_wait3A_245] : memref<64x128xf32, #tpu.memory_space<vmem>> -> memref<16x128xf32, #tpu.memory_space<vmem>>
        %dma_wait3A_247 = arith.constant 16 : i32
        %dma_wait3A_248 = tpu.memref_slice %arg15[%dma_wait3A_247] : memref<64xi32, #tpu.memory_space<vmem>> -> memref<16xi32, #tpu.memory_space<vmem>>
        %dma_wait3A_249 = arith.constant 0 : i32
        %dma_wait3A_250 = arith.constant 0 : i32
        %dma_wait3A_251 = tpu.memref_slice %arg5[%dma_wait3A_249, %dma_wait3A_250] : memref<40000x128xf32, #tpu.memory_space<hbm>> -> memref<40000x128xf32, #tpu.memory_space<hbm>>
        tpu.wait_indirect_dma semaphore(%arg20 : memref<!tpu.dma_semaphore, #tpu.memory_space<semaphore_mem>>) src(%dma_wait3A_251 : memref<40000x128xf32, #tpu.memory_space<hbm>>) dst(%dma_wait3A_246 : memref<16x128xf32, #tpu.memory_space<vmem>>)
        %dma_wait3A_252 = arith.constant 32 : i32
        %dma_wait3A_253 = arith.constant 0 : i32
        %dma_wait3A_254 = tpu.memref_slice %arg16[%dma_wait3A_252, %dma_wait3A_253] : memref<64x128xf32, #tpu.memory_space<vmem>> -> memref<16x128xf32, #tpu.memory_space<vmem>>
        %dma_wait3A_255 = tpu.memref_slice %arg12[%add3A_190] : memref<2176xi32, #tpu.memory_space<vmem>> -> memref<16xi32, #tpu.memory_space<vmem>>
        %dma_wait3A_256 = arith.constant 0 : i32
        %dma_wait3A_257 = arith.constant 0 : i32
        %dma_wait3A_258 = tpu.memref_slice %arg2[%dma_wait3A_256, %dma_wait3A_257] : memref<10000x128xf32, #tpu.memory_space<hbm>> -> memref<10000x128xf32, #tpu.memory_space<hbm>>
        tpu.wait_indirect_dma semaphore(%arg20 : memref<!tpu.dma_semaphore, #tpu.memory_space<semaphore_mem>>) src(%dma_wait3A_258 : memref<10000x128xf32, #tpu.memory_space<hbm>>) dst(%dma_wait3A_254 : memref<16x128xf32, #tpu.memory_space<vmem>>)
        %dma_wait3A_259 = arith.constant 32 : i32
        %dma_wait3A_260 = arith.constant 0 : i32
        %dma_wait3A_261 = tpu.memref_slice %arg17[%dma_wait3A_259, %dma_wait3A_260] : memref<64x128xf32, #tpu.memory_space<vmem>> -> memref<16x128xf32, #tpu.memory_space<vmem>>
        %dma_wait3A_262 = arith.constant 32 : i32
        %dma_wait3A_263 = tpu.memref_slice %arg15[%dma_wait3A_262] : memref<64xi32, #tpu.memory_space<vmem>> -> memref<16xi32, #tpu.memory_space<vmem>>
        %dma_wait3A_264 = arith.constant 0 : i32
        %dma_wait3A_265 = arith.constant 0 : i32
        %dma_wait3A_266 = tpu.memref_slice %arg5[%dma_wait3A_264, %dma_wait3A_265] : memref<40000x128xf32, #tpu.memory_space<hbm>> -> memref<40000x128xf32, #tpu.memory_space<hbm>>
        tpu.wait_indirect_dma semaphore(%arg20 : memref<!tpu.dma_semaphore, #tpu.memory_space<semaphore_mem>>) src(%dma_wait3A_266 : memref<40000x128xf32, #tpu.memory_space<hbm>>) dst(%dma_wait3A_261 : memref<16x128xf32, #tpu.memory_space<vmem>>)
        %dma_wait3A_267 = arith.constant 48 : i32
        %dma_wait3A_268 = arith.constant 0 : i32
        %dma_wait3A_269 = tpu.memref_slice %arg16[%dma_wait3A_267, %dma_wait3A_268] : memref<64x128xf32, #tpu.memory_space<vmem>> -> memref<16x128xf32, #tpu.memory_space<vmem>>
        %dma_wait3A_270 = tpu.memref_slice %arg12[%add3A_207] : memref<2176xi32, #tpu.memory_space<vmem>> -> memref<16xi32, #tpu.memory_space<vmem>>
        %dma_wait3A_271 = arith.constant 0 : i32
        %dma_wait3A_272 = arith.constant 0 : i32
        %dma_wait3A_273 = tpu.memref_slice %arg2[%dma_wait3A_271, %dma_wait3A_272] : memref<10000x128xf32, #tpu.memory_space<hbm>> -> memref<10000x128xf32, #tpu.memory_space<hbm>>
        tpu.wait_indirect_dma semaphore(%arg20 : memref<!tpu.dma_semaphore, #tpu.memory_space<semaphore_mem>>) src(%dma_wait3A_273 : memref<10000x128xf32, #tpu.memory_space<hbm>>) dst(%dma_wait3A_269 : memref<16x128xf32, #tpu.memory_space<vmem>>)
        %dma_wait3A_274 = arith.constant 48 : i32
        %dma_wait3A_275 = arith.constant 0 : i32
        %dma_wait3A_276 = tpu.memref_slice %arg17[%dma_wait3A_274, %dma_wait3A_275] : memref<64x128xf32, #tpu.memory_space<vmem>> -> memref<16x128xf32, #tpu.memory_space<vmem>>
        %dma_wait3A_277 = arith.constant 48 : i32
        %dma_wait3A_278 = tpu.memref_slice %arg15[%dma_wait3A_277] : memref<64xi32, #tpu.memory_space<vmem>> -> memref<16xi32, #tpu.memory_space<vmem>>
        %dma_wait3A_279 = arith.constant 0 : i32
        %dma_wait3A_280 = arith.constant 0 : i32
        %dma_wait3A_281 = tpu.memref_slice %arg5[%dma_wait3A_279, %dma_wait3A_280] : memref<40000x128xf32, #tpu.memory_space<hbm>> -> memref<40000x128xf32, #tpu.memory_space<hbm>>
        tpu.wait_indirect_dma semaphore(%arg20 : memref<!tpu.dma_semaphore, #tpu.memory_space<semaphore_mem>>) src(%dma_wait3A_281 : memref<40000x128xf32, #tpu.memory_space<hbm>>) dst(%dma_wait3A_276 : memref<16x128xf32, #tpu.memory_space<vmem>>)
        %scan3A_282 = arith.constant 0 : i32
        %scan3A_283 = arith.constant 0 : i32
        %scan3A_284 = arith.constant 4 : i32
        %scan3A_285 = arith.addi %scan3A_283, %scan3A_284 : i32
        %scan3A_286 = arith.constant 1 : i32
        scf.for %scan3A_288 = %scan3A_283 to %scan3A_285 step %scan3A_286  : i32 {
          %mul3A_289 = arith.constant 16 : i32
          %mul3A_290 = arith.muli %scan3A_288, %mul3A_289 : i32
          %add3A_291 = arith.addi %mul3A_121, %mul3A_290 : i32
          %get3A_292 = arith.index_cast %add3A_291 : i32 to index
          %get3A_293 = tpu.vector_load %arg14[%get3A_292] {strides = array<i32>} : memref<2176xi32, #tpu.memory_space<vmem>>, vector<16xi32>,
          %mul3A_294 = arith.constant 16 : i32
          %mul3A_295 = arith.muli %scan3A_288, %mul3A_294 : i32
          %add3A_296 = arith.addi %mul3A_121, %mul3A_295 : i32
          %get3A_297 = arith.index_cast %add3A_296 : i32 to index
          %get3A_298 = tpu.vector_load %arg13[%get3A_297] {strides = array<i32>} : memref<2176xi32, #tpu.memory_space<vmem>>, vector<16xi32>,
          %mul3A_299 = arith.constant 16 : i32
          %mul3A_300 = arith.muli %scan3A_288, %mul3A_299 : i32
          %add3A_301 = vector.broadcast %mul3A_300 : i32 to vector<16xi32>
          %add3A_302 = arith.addi %add3A_301, %iota3A : vector<16xi32>
          %and3A_303 = arith.constant 7 : i32
          %and3A_304 = vector.broadcast %and3A_303 : i32 to vector<16xi32>
          %and3A_305 = arith.andi %get3A_298, %and3A_304 : vector<16xi32>
          %mul3A_306 = arith.constant 16 : i32
          %mul3A_307 = vector.broadcast %mul3A_306 : i32 to vector<16xi32>
          %mul3A_308 = arith.muli %and3A_305, %mul3A_307 : vector<16xi32>
          %scan3A_309 = arith.constant 0 : i32
          %scan3A_310 = arith.constant 0 : i32
          %scan3A_311 = arith.constant 16 : i32
          %scan3A_312 = arith.addi %scan3A_310, %scan3A_311 : i32
          %scan3A_313 = arith.constant 1 : i32
          scf.for %scan3A_318 = %scan3A_310 to %scan3A_312 step %scan3A_313  : i32 {
            %add3A_319 = vector.broadcast %scan3A_318 : i32 to vector<16xi32>
            %add3A_320 = arith.addi %iota3A, %add3A_319 : vector<16xi32>
            %and3A_321 = arith.constant 15 : i32
            %and3A_322 = vector.broadcast %and3A_321 : i32 to vector<16xi32>
            %and3A_323 = arith.andi %add3A_320, %and3A_322 : vector<16xi32>
            %add3A_324 = arith.constant 0 : i32
            %add3A_325 = vector.broadcast %add3A_324 : i32 to vector<16xi32>
            %add3A_326 = arith.addi %add3A_325, %and3A_323 : vector<16xi32>
            %gather3A = tpu.vector_load_idx %arg16[%add3A_302, %add3A_326] : memref<64x128xf32, #tpu.memory_space<vmem>>[vector<16xi32>, vector<16xi32>], vector<16xf32>,
            %add3A_327 = arith.constant 0 : i32
            %add3A_328 = vector.broadcast %add3A_327 : i32 to vector<16xi32>
            %add3A_329 = arith.addi %add3A_328, %and3A_323 : vector<16xi32>
            tpu.vector_store_idx %arg18[%get3A_293, %add3A_329], %gather3A {add = true} : memref<321x128xf32, #tpu.memory_space<vmem>>[vector<16xi32>, vector<16xi32>], vector<16xf32>,
            %add3A_330 = arith.constant 16 : i32
            %add3A_331 = vector.broadcast %add3A_330 : i32 to vector<16xi32>
            %add3A_332 = arith.addi %add3A_331, %and3A_323 : vector<16xi32>
            %gather3A_333 = tpu.vector_load_idx %arg16[%add3A_302, %add3A_332] : memref<64x128xf32, #tpu.memory_space<vmem>>[vector<16xi32>, vector<16xi32>], vector<16xf32>,
            %add3A_334 = arith.constant 16 : i32
            %add3A_335 = vector.broadcast %add3A_334 : i32 to vector<16xi32>
            %add3A_336 = arith.addi %add3A_335, %and3A_323 : vector<16xi32>
            tpu.vector_store_idx %arg18[%get3A_293, %add3A_336], %gather3A_333 {add = true} : memref<321x128xf32, #tpu.memory_space<vmem>>[vector<16xi32>, vector<16xi32>], vector<16xf32>,
            %add3A_337 = arith.constant 32 : i32
            %add3A_338 = vector.broadcast %add3A_337 : i32 to vector<16xi32>
            %add3A_339 = arith.addi %add3A_338, %and3A_323 : vector<16xi32>
            %gather3A_340 = tpu.vector_load_idx %arg16[%add3A_302, %add3A_339] : memref<64x128xf32, #tpu.memory_space<vmem>>[vector<16xi32>, vector<16xi32>], vector<16xf32>,
            %add3A_341 = arith.constant 32 : i32
            %add3A_342 = vector.broadcast %add3A_341 : i32 to vector<16xi32>
            %add3A_343 = arith.addi %add3A_342, %and3A_323 : vector<16xi32>
            tpu.vector_store_idx %arg18[%get3A_293, %add3A_343], %gather3A_340 {add = true} : memref<321x128xf32, #tpu.memory_space<vmem>>[vector<16xi32>, vector<16xi32>], vector<16xf32>,
            %add3A_344 = arith.constant 48 : i32
            %add3A_345 = vector.broadcast %add3A_344 : i32 to vector<16xi32>
            %add3A_346 = arith.addi %add3A_345, %and3A_323 : vector<16xi32>
            %gather3A_347 = tpu.vector_load_idx %arg16[%add3A_302, %add3A_346] : memref<64x128xf32, #tpu.memory_space<vmem>>[vector<16xi32>, vector<16xi32>], vector<16xf32>,
            %add3A_348 = arith.constant 48 : i32
            %add3A_349 = vector.broadcast %add3A_348 : i32 to vector<16xi32>
            %add3A_350 = arith.addi %add3A_349, %and3A_323 : vector<16xi32>
            tpu.vector_store_idx %arg18[%get3A_293, %add3A_350], %gather3A_347 {add = true} : memref<321x128xf32, #tpu.memory_space<vmem>>[vector<16xi32>, vector<16xi32>], vector<16xf32>,
            %add3A_351 = arith.constant 64 : i32
            %add3A_352 = vector.broadcast %add3A_351 : i32 to vector<16xi32>
            %add3A_353 = arith.addi %add3A_352, %and3A_323 : vector<16xi32>
            %gather3A_354 = tpu.vector_load_idx %arg16[%add3A_302, %add3A_353] : memref<64x128xf32, #tpu.memory_space<vmem>>[vector<16xi32>, vector<16xi32>], vector<16xf32>,
            %add3A_355 = arith.constant 64 : i32
            %add3A_356 = vector.broadcast %add3A_355 : i32 to vector<16xi32>
            %add3A_357 = arith.addi %add3A_356, %and3A_323 : vector<16xi32>
            tpu.vector_store_idx %arg18[%get3A_293, %add3A_357], %gather3A_354 {add = true} : memref<321x128xf32, #tpu.memory_space<vmem>>[vector<16xi32>, vector<16xi32>], vector<16xf32>,
            %add3A_358 = arith.constant 80 : i32
            %add3A_359 = vector.broadcast %add3A_358 : i32 to vector<16xi32>
            %add3A_360 = arith.addi %add3A_359, %and3A_323 : vector<16xi32>
            %gather3A_361 = tpu.vector_load_idx %arg16[%add3A_302, %add3A_360] : memref<64x128xf32, #tpu.memory_space<vmem>>[vector<16xi32>, vector<16xi32>], vector<16xf32>,
            %add3A_362 = arith.constant 80 : i32
            %add3A_363 = vector.broadcast %add3A_362 : i32 to vector<16xi32>
            %add3A_364 = arith.addi %add3A_363, %and3A_323 : vector<16xi32>
            tpu.vector_store_idx %arg18[%get3A_293, %add3A_364], %gather3A_361 {add = true} : memref<321x128xf32, #tpu.memory_space<vmem>>[vector<16xi32>, vector<16xi32>], vector<16xf32>,
            %add3A_365 = arith.constant 96 : i32
            %add3A_366 = vector.broadcast %add3A_365 : i32 to vector<16xi32>
            %add3A_367 = arith.addi %add3A_366, %and3A_323 : vector<16xi32>
            %gather3A_368 = tpu.vector_load_idx %arg16[%add3A_302, %add3A_367] : memref<64x128xf32, #tpu.memory_space<vmem>>[vector<16xi32>, vector<16xi32>], vector<16xf32>,
            %add3A_369 = arith.constant 96 : i32
            %add3A_370 = vector.broadcast %add3A_369 : i32 to vector<16xi32>
            %add3A_371 = arith.addi %add3A_370, %and3A_323 : vector<16xi32>
            tpu.vector_store_idx %arg18[%get3A_293, %add3A_371], %gather3A_368 {add = true} : memref<321x128xf32, #tpu.memory_space<vmem>>[vector<16xi32>, vector<16xi32>], vector<16xf32>,
            %add3A_372 = arith.constant 112 : i32
            %add3A_373 = vector.broadcast %add3A_372 : i32 to vector<16xi32>
            %add3A_374 = arith.addi %add3A_373, %and3A_323 : vector<16xi32>
            %gather3A_375 = tpu.vector_load_idx %arg16[%add3A_302, %add3A_374] : memref<64x128xf32, #tpu.memory_space<vmem>>[vector<16xi32>, vector<16xi32>], vector<16xf32>,
            %add3A_376 = arith.constant 112 : i32
            %add3A_377 = vector.broadcast %add3A_376 : i32 to vector<16xi32>
            %add3A_378 = arith.addi %add3A_377, %and3A_323 : vector<16xi32>
            tpu.vector_store_idx %arg18[%get3A_293, %add3A_378], %gather3A_375 {add = true} : memref<321x128xf32, #tpu.memory_space<vmem>>[vector<16xi32>, vector<16xi32>], vector<16xf32>,
            %add3A_379 = arith.addi %mul3A_308, %and3A_323 : vector<16xi32>
            %gather3A_380 = tpu.vector_load_idx %arg17[%add3A_302, %add3A_379] : memref<64x128xf32, #tpu.memory_space<vmem>>[vector<16xi32>, vector<16xi32>], vector<16xf32>,
            tpu.vector_store_idx %arg19[%get3A_293, %and3A_323], %gather3A_380 {add = true} : memref<321x32xf32, #tpu.memory_space<vmem>>[vector<16xi32>, vector<16xi32>], vector<16xf32>,
          }
          %scan3A_314 = arith.constant 16 : i32
          %add3A_315 = arith.constant 16 : i32
          %add3A_316 = vector.broadcast %add3A_315 : i32 to vector<16xi32>
          %add3A_317 = arith.addi %add3A_316, %iota3A : vector<16xi32>
          tpu.vector_store_idx %arg19[%get3A_293, %add3A_317], %broadcast_in_dim3A_3 {add = true} : memref<321x32xf32, #tpu.memory_space<vmem>>[vector<16xi32>, vector<16xi32>], vector<16xf32>,
        }
        %scan3A_287 = arith.constant 4 : i32
      }
      %while3A_118 = arith.constant 1 : i32
      scf.for %while3A_119 = %while3A_116 to %while3A_112 step %while3A_118  : i32 {
        %mul3A_120 = arith.constant 64 : i32
        %mul3A_121 = arith.muli %while3A_119, %mul3A_120 : i32
        %add3A_122 = arith.constant 0 : i32
        %add3A_123 = arith.addi %mul3A_121, %add3A_122 : i32
        %get3A = arith.index_cast %add3A_123 : i32 to index
        %get3A_124 = tpu.vector_load %arg13[%get3A] {strides = array<i32>} : memref<2176xi32, #tpu.memory_space<vmem>>, vector<16xi32>,
        %shift_right_arithmetic3A = arith.constant 3 : i32
        %shift_right_arithmetic3A_125 = vector.broadcast %shift_right_arithmetic3A : i32 to vector<16xi32>
        %shift_right_arithmetic3A_126 = arith.shrsi %get3A_124, %shift_right_arithmetic3A_125 : vector<16xi32>
        %swap3A_127 = arith.constant 0 : index
        %swap3A_128 = tpu.vector_load %arg15[%swap3A_127] {strides = array<i32>} : memref<64xi32, #tpu.memory_space<vmem>>, vector<16xi32>,
        tpu.vector_store %arg15[%swap3A_127], %shift_right_arithmetic3A_126 {strides = array<i32>} : memref<64xi32, #tpu.memory_space<vmem>>, vector<16xi32>,
        %add3A_129 = arith.constant 16 : i32
        %add3A_130 = arith.addi %mul3A_121, %add3A_129 : i32
        %get3A_131 = arith.index_cast %add3A_130 : i32 to index
        %get3A_132 = tpu.vector_load %arg13[%get3A_131] {strides = array<i32>} : memref<2176xi32, #tpu.memory_space<vmem>>, vector<16xi32>,
        %shift_right_arithmetic3A_133 = arith.constant 3 : i32
        %shift_right_arithmetic3A_134 = vector.broadcast %shift_right_arithmetic3A_133 : i32 to vector<16xi32>
        %shift_right_arithmetic3A_135 = arith.shrsi %get3A_132, %shift_right_arithmetic3A_134 : vector<16xi32>
        %swap3A_136 = arith.constant 16 : index
        %swap3A_137 = tpu.vector_load %arg15[%swap3A_136] {strides = array<i32>} : memref<64xi32, #tpu.memory_space<vmem>>, vector<16xi32>,
        tpu.vector_store %arg15[%swap3A_136], %shift_right_arithmetic3A_135 {strides = array<i32>} : memref<64xi32, #tpu.memory_space<vmem>>, vector<16xi32>,
        %add3A_138 = arith.constant 32 : i32
        %add3A_139 = arith.addi %mul3A_121, %add3A_138 : i32
        %get3A_140 = arith.index_cast %add3A_139 : i32 to index
        %get3A_141 = tpu.vector_load %arg13[%get3A_140] {strides = array<i32>} : memref<2176xi32, #tpu.memory_space<vmem>>, vector<16xi32>,
        %shift_right_arithmetic3A_142 = arith.constant 3 : i32
        %shift_right_arithmetic3A_143 = vector.broadcast %shift_right_arithmetic3A_142 : i32 to vector<16xi32>
        %shift_right_arithmetic3A_144 = arith.shrsi %get3A_141, %shift_right_arithmetic3A_143 : vector<16xi32>
        %swap3A_145 = arith.constant 32 : index
        %swap3A_146 = tpu.vector_load %arg15[%swap3A_145] {strides = array<i32>} : memref<64xi32, #tpu.memory_space<vmem>>, vector<16xi32>,
        tpu.vector_store %arg15[%swap3A_145], %shift_right_arithmetic3A_144 {strides = array<i32>} : memref<64xi32, #tpu.memory_space<vmem>>, vector<16xi32>,
        %add3A_147 = arith.constant 48 : i32
        %add3A_148 = arith.addi %mul3A_121, %add3A_147 : i32
        %get3A_149 = arith.index_cast %add3A_148 : i32 to index
        %get3A_150 = tpu.vector_load %arg13[%get3A_149] {strides = array<i32>} : memref<2176xi32, #tpu.memory_space<vmem>>, vector<16xi32>,
        %shift_right_arithmetic3A_151 = arith.constant 3 : i32
        %shift_right_arithmetic3A_152 = vector.broadcast %shift_right_arithmetic3A_151 : i32 to vector<16xi32>
        %shift_right_arithmetic3A_153 = arith.shrsi %get3A_150, %shift_right_arithmetic3A_152 : vector<16xi32>
        %swap3A_154 = arith.constant 48 : index
        %swap3A_155 = tpu.vector_load %arg15[%swap3A_154] {strides = array<i32>} : memref<64xi32, #tpu.memory_space<vmem>>, vector<16xi32>,
        tpu.vector_store %arg15[%swap3A_154], %shift_right_arithmetic3A_153 {strides = array<i32>} : memref<64xi32, #tpu.memory_space<vmem>>, vector<16xi32>,
        %add3A_156 = arith.constant 0 : i32
        %add3A_157 = arith.addi %mul3A_121, %add3A_156 : i32
        %dma_start3A = arith.constant 0 : i32
        %dma_start3A_158 = arith.constant 0 : i32
        %dma_start3A_159 = tpu.memref_slice %arg16[%dma_start3A, %dma_start3A_158] : memref<64x128xf32, #tpu.memory_space<vmem>> -> memref<16x128xf32, #tpu.memory_space<vmem>>
        %dma_start3A_160 = tpu.memref_slice %arg12[%add3A_157] : memref<2176xi32, #tpu.memory_space<vmem>> -> memref<16xi32, #tpu.memory_space<vmem>>
        %dma_start3A_161 = arith.constant 0 : i32
        %dma_start3A_162 = arith.constant 0 : i32
        %dma_start3A_163 = tpu.memref_slice %arg2[%dma_start3A_161, %dma_start3A_162] : memref<10000x128xf32, #tpu.memory_space<hbm>> -> memref<10000x128xf32, #tpu.memory_space<hbm>>
        tpu.enqueue_indirect_dma source(%dma_start3A_163 : memref<10000x128xf32, #tpu.memory_space<hbm>>) target(%dma_start3A_159 : memref<16x128xf32, #tpu.memory_space<vmem>>) offsets(%dma_start3A_160 : memref<16xi32, #tpu.memory_space<vmem>>) semaphore(%arg20 : memref<!tpu.dma_semaphore, #tpu.memory_space<semaphore_mem>>)
        %dma_start3A_164 = arith.constant 0 : i32
        %dma_start3A_165 = arith.constant 0 : i32
        %dma_start3A_166 = tpu.memref_slice %arg17[%dma_start3A_164, %dma_start3A_165] : memref<64x128xf32, #tpu.memory_space<vmem>> -> memref<16x128xf32, #tpu.memory_space<vmem>>
        %dma_start3A_167 = arith.constant 0 : i32
        %dma_start3A_168 = tpu.memref_slice %arg15[%dma_start3A_167] : memref<64xi32, #tpu.memory_space<vmem>> -> memref<16xi32, #tpu.memory_space<vmem>>
        %dma_start3A_169 = arith.constant 0 : i32
        %dma_start3A_170 = arith.constant 0 : i32
        %dma_start3A_171 = tpu.memref_slice %arg5[%dma_start3A_169, %dma_start3A_170] : memref<40000x128xf32, #tpu.memory_space<hbm>> -> memref<40000x128xf32, #tpu.memory_space<hbm>>
        tpu.enqueue_indirect_dma source(%dma_start3A_171 : memref<40000x128xf32, #tpu.memory_space<hbm>>) target(%dma_start3A_166 : memref<16x128xf32, #tpu.memory_space<vmem>>) offsets(%dma_start3A_168 : memref<16xi32, #tpu.memory_space<vmem>>) semaphore(%arg20 : memref<!tpu.dma_semaphore, #tpu.memory_space<semaphore_mem>>)
        %add3A_172 = arith.constant 16 : i32
        %add3A_173 = arith.addi %mul3A_121, %add3A_172 : i32
        %dma_start3A_174 = arith.constant 16 : i32
        %dma_start3A_175 = arith.constant 0 : i32
        %dma_start3A_176 = tpu.memref_slice %arg16[%dma_start3A_174, %dma_start3A_175] : memref<64x128xf32, #tpu.memory_space<vmem>> -> memref<16x128xf32, #tpu.memory_space<vmem>>
        %dma_start3A_177 = tpu.memref_slice %arg12[%add3A_173] : memref<2176xi32, #tpu.memory_space<vmem>> -> memref<16xi32, #tpu.memory_space<vmem>>
        %dma_start3A_178 = arith.constant 0 : i32
        %dma_start3A_179 = arith.constant 0 : i32
        %dma_start3A_180 = tpu.memref_slice %arg2[%dma_start3A_178, %dma_start3A_179] : memref<10000x128xf32, #tpu.memory_space<hbm>> -> memref<10000x128xf32, #tpu.memory_space<hbm>>
        tpu.enqueue_indirect_dma source(%dma_start3A_180 : memref<10000x128xf32, #tpu.memory_space<hbm>>) target(%dma_start3A_176 : memref<16x128xf32, #tpu.memory_space<vmem>>) offsets(%dma_start3A_177 : memref<16xi32, #tpu.memory_space<vmem>>) semaphore(%arg20 : memref<!tpu.dma_semaphore, #tpu.memory_space<semaphore_mem>>)
        %dma_start3A_181 = arith.constant 16 : i32
        %dma_start3A_182 = arith.constant 0 : i32
        %dma_start3A_183 = tpu.memref_slice %arg17[%dma_start3A_181, %dma_start3A_182] : memref<64x128xf32, #tpu.memory_space<vmem>> -> memref<16x128xf32, #tpu.memory_space<vmem>>
        %dma_start3A_184 = arith.constant 16 : i32
        %dma_start3A_185 = tpu.memref_slice %arg15[%dma_start3A_184] : memref<64xi32, #tpu.memory_space<vmem>> -> memref<16xi32, #tpu.memory_space<vmem>>
        %dma_start3A_186 = arith.constant 0 : i32
        %dma_start3A_187 = arith.constant 0 : i32
        %dma_start3A_188 = tpu.memref_slice %arg5[%dma_start3A_186, %dma_start3A_187] : memref<40000x128xf32, #tpu.memory_space<hbm>> -> memref<40000x128xf32, #tpu.memory_space<hbm>>
        tpu.enqueue_indirect_dma source(%dma_start3A_188 : memref<40000x128xf32, #tpu.memory_space<hbm>>) target(%dma_start3A_183 : memref<16x128xf32, #tpu.memory_space<vmem>>) offsets(%dma_start3A_185 : memref<16xi32, #tpu.memory_space<vmem>>) semaphore(%arg20 : memref<!tpu.dma_semaphore, #tpu.memory_space<semaphore_mem>>)
        %add3A_189 = arith.constant 32 : i32
        %add3A_190 = arith.addi %mul3A_121, %add3A_189 : i32
        %dma_start3A_191 = arith.constant 32 : i32
        %dma_start3A_192 = arith.constant 0 : i32
        %dma_start3A_193 = tpu.memref_slice %arg16[%dma_start3A_191, %dma_start3A_192] : memref<64x128xf32, #tpu.memory_space<vmem>> -> memref<16x128xf32, #tpu.memory_space<vmem>>
        %dma_start3A_194 = tpu.memref_slice %arg12[%add3A_190] : memref<2176xi32, #tpu.memory_space<vmem>> -> memref<16xi32, #tpu.memory_space<vmem>>
        %dma_start3A_195 = arith.constant 0 : i32
        %dma_start3A_196 = arith.constant 0 : i32
        %dma_start3A_197 = tpu.memref_slice %arg2[%dma_start3A_195, %dma_start3A_196] : memref<10000x128xf32, #tpu.memory_space<hbm>> -> memref<10000x128xf32, #tpu.memory_space<hbm>>
        tpu.enqueue_indirect_dma source(%dma_start3A_197 : memref<10000x128xf32, #tpu.memory_space<hbm>>) target(%dma_start3A_193 : memref<16x128xf32, #tpu.memory_space<vmem>>) offsets(%dma_start3A_194 : memref<16xi32, #tpu.memory_space<vmem>>) semaphore(%arg20 : memref<!tpu.dma_semaphore, #tpu.memory_space<semaphore_mem>>)
        %dma_start3A_198 = arith.constant 32 : i32
        %dma_start3A_199 = arith.constant 0 : i32
        %dma_start3A_200 = tpu.memref_slice %arg17[%dma_start3A_198, %dma_start3A_199] : memref<64x128xf32, #tpu.memory_space<vmem>> -> memref<16x128xf32, #tpu.memory_space<vmem>>
        %dma_start3A_201 = arith.constant 32 : i32
        %dma_start3A_202 = tpu.memref_slice %arg15[%dma_start3A_201] : memref<64xi32, #tpu.memory_space<vmem>> -> memref<16xi32, #tpu.memory_space<vmem>>
        %dma_start3A_203 = arith.constant 0 : i32
        %dma_start3A_204 = arith.constant 0 : i32
        %dma_start3A_205 = tpu.memref_slice %arg5[%dma_start3A_203, %dma_start3A_204] : memref<40000x128xf32, #tpu.memory_space<hbm>> -> memref<40000x128xf32, #tpu.memory_space<hbm>>
        tpu.enqueue_indirect_dma source(%dma_start3A_205 : memref<40000x128xf32, #tpu.memory_space<hbm>>) target(%dma_start3A_200 : memref<16x128xf32, #tpu.memory_space<vmem>>) offsets(%dma_start3A_202 : memref<16xi32, #tpu.memory_space<vmem>>) semaphore(%arg20 : memref<!tpu.dma_semaphore, #tpu.memory_space<semaphore_mem>>)
        %add3A_206 = arith.constant 48 : i32
        %add3A_207 = arith.addi %mul3A_121, %add3A_206 : i32
        %dma_start3A_208 = arith.constant 48 : i32
        %dma_start3A_209 = arith.constant 0 : i32
        %dma_start3A_210 = tpu.memref_slice %arg16[%dma_start3A_208, %dma_start3A_209] : memref<64x128xf32, #tpu.memory_space<vmem>> -> memref<16x128xf32, #tpu.memory_space<vmem>>
        %dma_start3A_211 = tpu.memref_slice %arg12[%add3A_207] : memref<2176xi32, #tpu.memory_space<vmem>> -> memref<16xi32, #tpu.memory_space<vmem>>
        %dma_start3A_212 = arith.constant 0 : i32
        %dma_start3A_213 = arith.constant 0 : i32
        %dma_start3A_214 = tpu.memref_slice %arg2[%dma_start3A_212, %dma_start3A_213] : memref<10000x128xf32, #tpu.memory_space<hbm>> -> memref<10000x128xf32, #tpu.memory_space<hbm>>
        tpu.enqueue_indirect_dma source(%dma_start3A_214 : memref<10000x128xf32, #tpu.memory_space<hbm>>) target(%dma_start3A_210 : memref<16x128xf32, #tpu.memory_space<vmem>>) offsets(%dma_start3A_211 : memref<16xi32, #tpu.memory_space<vmem>>) semaphore(%arg20 : memref<!tpu.dma_semaphore, #tpu.memory_space<semaphore_mem>>)
        %dma_start3A_215 = arith.constant 48 : i32
        %dma_start3A_216 = arith.constant 0 : i32
        %dma_start3A_217 = tpu.memref_slice %arg17[%dma_start3A_215, %dma_start3A_216] : memref<64x128xf32, #tpu.memory_space<vmem>> -> memref<16x128xf32, #tpu.memory_space<vmem>>
        %dma_start3A_218 = arith.constant 48 : i32
        %dma_start3A_219 = tpu.memref_slice %arg15[%dma_start3A_218] : memref<64xi32, #tpu.memory_space<vmem>> -> memref<16xi32, #tpu.memory_space<vmem>>
        %dma_start3A_220 = arith.constant 0 : i32
        %dma_start3A_221 = arith.constant 0 : i32
        %dma_start3A_222 = tpu.memref_slice %arg5[%dma_start3A_220, %dma_start3A_221] : memref<40000x128xf32, #tpu.memory_space<hbm>> -> memref<40000x128xf32, #tpu.memory_space<hbm>>
        tpu.enqueue_indirect_dma source(%dma_start3A_222 : memref<40000x128xf32, #tpu.memory_space<hbm>>) target(%dma_start3A_217 : memref<16x128xf32, #tpu.memory_space<vmem>>) offsets(%dma_start3A_219 : memref<16xi32, #tpu.memory_space<vmem>>) semaphore(%arg20 : memref<!tpu.dma_semaphore, #tpu.memory_space<semaphore_mem>>)
        %dma_wait3A = arith.constant 0 : i32
        %dma_wait3A_223 = arith.constant 0 : i32
        %dma_wait3A_224 = tpu.memref_slice %arg16[%dma_wait3A, %dma_wait3A_223] : memref<64x128xf32, #tpu.memory_space<vmem>> -> memref<16x128xf32, #tpu.memory_space<vmem>>
        %dma_wait3A_225 = tpu.memref_slice %arg12[%add3A_157] : memref<2176xi32, #tpu.memory_space<vmem>> -> memref<16xi32, #tpu.memory_space<vmem>>
        %dma_wait3A_226 = arith.constant 0 : i32
        %dma_wait3A_227 = arith.constant 0 : i32
        %dma_wait3A_228 = tpu.memref_slice %arg2[%dma_wait3A_226, %dma_wait3A_227] : memref<10000x128xf32, #tpu.memory_space<hbm>> -> memref<10000x128xf32, #tpu.memory_space<hbm>>
        tpu.wait_indirect_dma semaphore(%arg20 : memref<!tpu.dma_semaphore, #tpu.memory_space<semaphore_mem>>) src(%dma_wait3A_228 : memref<10000x128xf32, #tpu.memory_space<hbm>>) dst(%dma_wait3A_224 : memref<16x128xf32, #tpu.memory_space<vmem>>)
        %dma_wait3A_229 = arith.constant 0 : i32
        %dma_wait3A_230 = arith.constant 0 : i32
        %dma_wait3A_231 = tpu.memref_slice %arg17[%dma_wait3A_229, %dma_wait3A_230] : memref<64x128xf32, #tpu.memory_space<vmem>> -> memref<16x128xf32, #tpu.memory_space<vmem>>
        %dma_wait3A_232 = arith.constant 0 : i32
        %dma_wait3A_233 = tpu.memref_slice %arg15[%dma_wait3A_232] : memref<64xi32, #tpu.memory_space<vmem>> -> memref<16xi32, #tpu.memory_space<vmem>>
        %dma_wait3A_234 = arith.constant 0 : i32
        %dma_wait3A_235 = arith.constant 0 : i32
        %dma_wait3A_236 = tpu.memref_slice %arg5[%dma_wait3A_234, %dma_wait3A_235] : memref<40000x128xf32, #tpu.memory_space<hbm>> -> memref<40000x128xf32, #tpu.memory_space<hbm>>
        tpu.wait_indirect_dma semaphore(%arg20 : memref<!tpu.dma_semaphore, #tpu.memory_space<semaphore_mem>>) src(%dma_wait3A_236 : memref<40000x128xf32, #tpu.memory_space<hbm>>) dst(%dma_wait3A_231 : memref<16x128xf32, #tpu.memory_space<vmem>>)
        %dma_wait3A_237 = arith.constant 16 : i32
        %dma_wait3A_238 = arith.constant 0 : i32
        %dma_wait3A_239 = tpu.memref_slice %arg16[%dma_wait3A_237, %dma_wait3A_238] : memref<64x128xf32, #tpu.memory_space<vmem>> -> memref<16x128xf32, #tpu.memory_space<vmem>>
        %dma_wait3A_240 = tpu.memref_slice %arg12[%add3A_173] : memref<2176xi32, #tpu.memory_space<vmem>> -> memref<16xi32, #tpu.memory_space<vmem>>
        %dma_wait3A_241 = arith.constant 0 : i32
        %dma_wait3A_242 = arith.constant 0 : i32
        %dma_wait3A_243 = tpu.memref_slice %arg2[%dma_wait3A_241, %dma_wait3A_242] : memref<10000x128xf32, #tpu.memory_space<hbm>> -> memref<10000x128xf32, #tpu.memory_space<hbm>>
        tpu.wait_indirect_dma semaphore(%arg20 : memref<!tpu.dma_semaphore, #tpu.memory_space<semaphore_mem>>) src(%dma_wait3A_243 : memref<10000x128xf32, #tpu.memory_space<hbm>>) dst(%dma_wait3A_239 : memref<16x128xf32, #tpu.memory_space<vmem>>)
        %dma_wait3A_244 = arith.constant 16 : i32
        %dma_wait3A_245 = arith.constant 0 : i32
        %dma_wait3A_246 = tpu.memref_slice %arg17[%dma_wait3A_244, %dma_wait3A_245] : memref<64x128xf32, #tpu.memory_space<vmem>> -> memref<16x128xf32, #tpu.memory_space<vmem>>
        %dma_wait3A_247 = arith.constant 16 : i32
        %dma_wait3A_248 = tpu.memref_slice %arg15[%dma_wait3A_247] : memref<64xi32, #tpu.memory_space<vmem>> -> memref<16xi32, #tpu.memory_space<vmem>>
        %dma_wait3A_249 = arith.constant 0 : i32
        %dma_wait3A_250 = arith.constant 0 : i32
        %dma_wait3A_251 = tpu.memref_slice %arg5[%dma_wait3A_249, %dma_wait3A_250] : memref<40000x128xf32, #tpu.memory_space<hbm>> -> memref<40000x128xf32, #tpu.memory_space<hbm>>
        tpu.wait_indirect_dma semaphore(%arg20 : memref<!tpu.dma_semaphore, #tpu.memory_space<semaphore_mem>>) src(%dma_wait3A_251 : memref<40000x128xf32, #tpu.memory_space<hbm>>) dst(%dma_wait3A_246 : memref<16x128xf32, #tpu.memory_space<vmem>>)
        %dma_wait3A_252 = arith.constant 32 : i32
        %dma_wait3A_253 = arith.constant 0 : i32
        %dma_wait3A_254 = tpu.memref_slice %arg16[%dma_wait3A_252, %dma_wait3A_253] : memref<64x128xf32, #tpu.memory_space<vmem>> -> memref<16x128xf32, #tpu.memory_space<vmem>>
        %dma_wait3A_255 = tpu.memref_slice %arg12[%add3A_190] : memref<2176xi32, #tpu.memory_space<vmem>> -> memref<16xi32, #tpu.memory_space<vmem>>
        %dma_wait3A_256 = arith.constant 0 : i32
        %dma_wait3A_257 = arith.constant 0 : i32
        %dma_wait3A_258 = tpu.memref_slice %arg2[%dma_wait3A_256, %dma_wait3A_257] : memref<10000x128xf32, #tpu.memory_space<hbm>> -> memref<10000x128xf32, #tpu.memory_space<hbm>>
        tpu.wait_indirect_dma semaphore(%arg20 : memref<!tpu.dma_semaphore, #tpu.memory_space<semaphore_mem>>) src(%dma_wait3A_258 : memref<10000x128xf32, #tpu.memory_space<hbm>>) dst(%dma_wait3A_254 : memref<16x128xf32, #tpu.memory_space<vmem>>)
        %dma_wait3A_259 = arith.constant 32 : i32
        %dma_wait3A_260 = arith.constant 0 : i32
        %dma_wait3A_261 = tpu.memref_slice %arg17[%dma_wait3A_259, %dma_wait3A_260] : memref<64x128xf32, #tpu.memory_space<vmem>> -> memref<16x128xf32, #tpu.memory_space<vmem>>
        %dma_wait3A_262 = arith.constant 32 : i32
        %dma_wait3A_263 = tpu.memref_slice %arg15[%dma_wait3A_262] : memref<64xi32, #tpu.memory_space<vmem>> -> memref<16xi32, #tpu.memory_space<vmem>>
        %dma_wait3A_264 = arith.constant 0 : i32
        %dma_wait3A_265 = arith.constant 0 : i32
        %dma_wait3A_266 = tpu.memref_slice %arg5[%dma_wait3A_264, %dma_wait3A_265] : memref<40000x128xf32, #tpu.memory_space<hbm>> -> memref<40000x128xf32, #tpu.memory_space<hbm>>
        tpu.wait_indirect_dma semaphore(%arg20 : memref<!tpu.dma_semaphore, #tpu.memory_space<semaphore_mem>>) src(%dma_wait3A_266 : memref<40000x128xf32, #tpu.memory_space<hbm>>) dst(%dma_wait3A_261 : memref<16x128xf32, #tpu.memory_space<vmem>>)
        %dma_wait3A_267 = arith.constant 48 : i32
        %dma_wait3A_268 = arith.constant 0 : i32
        %dma_wait3A_269 = tpu.memref_slice %arg16[%dma_wait3A_267, %dma_wait3A_268] : memref<64x128xf32, #tpu.memory_space<vmem>> -> memref<16x128xf32, #tpu.memory_space<vmem>>
        %dma_wait3A_270 = tpu.memref_slice %arg12[%add3A_207] : memref<2176xi32, #tpu.memory_space<vmem>> -> memref<16xi32, #tpu.memory_space<vmem>>
        %dma_wait3A_271 = arith.constant 0 : i32
        %dma_wait3A_272 = arith.constant 0 : i32
        %dma_wait3A_273 = tpu.memref_slice %arg2[%dma_wait3A_271, %dma_wait3A_272] : memref<10000x128xf32, #tpu.memory_space<hbm>> -> memref<10000x128xf32, #tpu.memory_space<hbm>>
        tpu.wait_indirect_dma semaphore(%arg20 : memref<!tpu.dma_semaphore, #tpu.memory_space<semaphore_mem>>) src(%dma_wait3A_273 : memref<10000x128xf32, #tpu.memory_space<hbm>>) dst(%dma_wait3A_269 : memref<16x128xf32, #tpu.memory_space<vmem>>)
        %dma_wait3A_274 = arith.constant 48 : i32
        %dma_wait3A_275 = arith.constant 0 : i32
        %dma_wait3A_276 = tpu.memref_slice %arg17[%dma_wait3A_274, %dma_wait3A_275] : memref<64x128xf32, #tpu.memory_space<vmem>> -> memref<16x128xf32, #tpu.memory_space<vmem>>
        %dma_wait3A_277 = arith.constant 48 : i32
        %dma_wait3A_278 = tpu.memref_slice %arg15[%dma_wait3A_277] : memref<64xi32, #tpu.memory_space<vmem>> -> memref<16xi32, #tpu.memory_space<vmem>>
        %dma_wait3A_279 = arith.constant 0 : i32
        %dma_wait3A_280 = arith.constant 0 : i32
        %dma_wait3A_281 = tpu.memref_slice %arg5[%dma_wait3A_279, %dma_wait3A_280] : memref<40000x128xf32, #tpu.memory_space<hbm>> -> memref<40000x128xf32, #tpu.memory_space<hbm>>
        tpu.wait_indirect_dma semaphore(%arg20 : memref<!tpu.dma_semaphore, #tpu.memory_space<semaphore_mem>>) src(%dma_wait3A_281 : memref<40000x128xf32, #tpu.memory_space<hbm>>) dst(%dma_wait3A_276 : memref<16x128xf32, #tpu.memory_space<vmem>>)
        %scan3A_282 = arith.constant 0 : i32
        %scan3A_283 = arith.constant 0 : i32
        %scan3A_284 = arith.constant 4 : i32
        %scan3A_285 = arith.addi %scan3A_283, %scan3A_284 : i32
        %scan3A_286 = arith.constant 1 : i32
        scf.for %scan3A_288 = %scan3A_283 to %scan3A_285 step %scan3A_286  : i32 {
          %mul3A_289 = arith.constant 16 : i32
          %mul3A_290 = arith.muli %scan3A_288, %mul3A_289 : i32
          %add3A_291 = arith.addi %mul3A_121, %mul3A_290 : i32
          %get3A_292 = arith.index_cast %add3A_291 : i32 to index
          %get3A_293 = tpu.vector_load %arg14[%get3A_292] {strides = array<i32>} : memref<2176xi32, #tpu.memory_space<vmem>>, vector<16xi32>,
          %mul3A_294 = arith.constant 16 : i32
          %mul3A_295 = arith.muli %scan3A_288, %mul3A_294 : i32
          %add3A_296 = arith.addi %mul3A_121, %mul3A_295 : i32
          %get3A_297 = arith.index_cast %add3A_296 : i32 to index
          %get3A_298 = tpu.vector_load %arg13[%get3A_297] {strides = array<i32>} : memref<2176xi32, #tpu.memory_space<vmem>>, vector<16xi32>,
          %mul3A_299 = arith.constant 16 : i32
          %mul3A_300 = arith.muli %scan3A_288, %mul3A_299 : i32
          %add3A_301 = vector.broadcast %mul3A_300 : i32 to vector<16xi32>
          %add3A_302 = arith.addi %add3A_301, %iota3A : vector<16xi32>
          %and3A_303 = arith.constant 7 : i32
          %and3A_304 = vector.broadcast %and3A_303 : i32 to vector<16xi32>
          %and3A_305 = arith.andi %get3A_298, %and3A_304 : vector<16xi32>
          %mul3A_306 = arith.constant 16 : i32
          %mul3A_307 = vector.broadcast %mul3A_306 : i32 to vector<16xi32>
          %mul3A_308 = arith.muli %and3A_305, %mul3A_307 : vector<16xi32>
          %scan3A_309 = arith.constant 0 : i32
          %scan3A_310 = arith.constant 0 : i32
          %scan3A_311 = arith.constant 16 : i32
          %scan3A_312 = arith.addi %scan3A_310, %scan3A_311 : i32
          %scan3A_313 = arith.constant 1 : i32
          scf.for %scan3A_318 = %scan3A_310 to %scan3A_312 step %scan3A_313  : i32 {
            %add3A_319 = vector.broadcast %scan3A_318 : i32 to vector<16xi32>
            %add3A_320 = arith.addi %iota3A, %add3A_319 : vector<16xi32>
            %and3A_321 = arith.constant 15 : i32
            %and3A_322 = vector.broadcast %and3A_321 : i32 to vector<16xi32>
            %and3A_323 = arith.andi %add3A_320, %and3A_322 : vector<16xi32>
            %add3A_324 = arith.constant 0 : i32
            %add3A_325 = vector.broadcast %add3A_324 : i32 to vector<16xi32>
            %add3A_326 = arith.addi %add3A_325, %and3A_323 : vector<16xi32>
            %gather3A = tpu.vector_load_idx %arg16[%add3A_302, %add3A_326] : memref<64x128xf32, #tpu.memory_space<vmem>>[vector<16xi32>, vector<16xi32>], vector<16xf32>,
            %add3A_327 = arith.constant 0 : i32
            %add3A_328 = vector.broadcast %add3A_327 : i32 to vector<16xi32>
            %add3A_329 = arith.addi %add3A_328, %and3A_323 : vector<16xi32>
            tpu.vector_store_idx %arg18[%get3A_293, %add3A_329], %gather3A {add = true} : memref<321x128xf32, #tpu.memory_space<vmem>>[vector<16xi32>, vector<16xi32>], vector<16xf32>,
            %add3A_330 = arith.constant 16 : i32
            %add3A_331 = vector.broadcast %add3A_330 : i32 to vector<16xi32>
            %add3A_332 = arith.addi %add3A_331, %and3A_323 : vector<16xi32>
            %gather3A_333 = tpu.vector_load_idx %arg16[%add3A_302, %add3A_332] : memref<64x128xf32, #tpu.memory_space<vmem>>[vector<16xi32>, vector<16xi32>], vector<16xf32>,
            %add3A_334 = arith.constant 16 : i32
            %add3A_335 = vector.broadcast %add3A_334 : i32 to vector<16xi32>
            %add3A_336 = arith.addi %add3A_335, %and3A_323 : vector<16xi32>
            tpu.vector_store_idx %arg18[%get3A_293, %add3A_336], %gather3A_333 {add = true} : memref<321x128xf32, #tpu.memory_space<vmem>>[vector<16xi32>, vector<16xi32>], vector<16xf32>,
            %add3A_337 = arith.constant 32 : i32
            %add3A_338 = vector.broadcast %add3A_337 : i32 to vector<16xi32>
            %add3A_339 = arith.addi %add3A_338, %and3A_323 : vector<16xi32>
            %gather3A_340 = tpu.vector_load_idx %arg16[%add3A_302, %add3A_339] : memref<64x128xf32, #tpu.memory_space<vmem>>[vector<16xi32>, vector<16xi32>], vector<16xf32>,
            %add3A_341 = arith.constant 32 : i32
            %add3A_342 = vector.broadcast %add3A_341 : i32 to vector<16xi32>
            %add3A_343 = arith.addi %add3A_342, %and3A_323 : vector<16xi32>
            tpu.vector_store_idx %arg18[%get3A_293, %add3A_343], %gather3A_340 {add = true} : memref<321x128xf32, #tpu.memory_space<vmem>>[vector<16xi32>, vector<16xi32>], vector<16xf32>,
            %add3A_344 = arith.constant 48 : i32
            %add3A_345 = vector.broadcast %add3A_344 : i32 to vector<16xi32>
            %add3A_346 = arith.addi %add3A_345, %and3A_323 : vector<16xi32>
            %gather3A_347 = tpu.vector_load_idx %arg16[%add3A_302, %add3A_346] : memref<64x128xf32, #tpu.memory_space<vmem>>[vector<16xi32>, vector<16xi32>], vector<16xf32>,
            %add3A_348 = arith.constant 48 : i32
            %add3A_349 = vector.broadcast %add3A_348 : i32 to vector<16xi32>
            %add3A_350 = arith.addi %add3A_349, %and3A_323 : vector<16xi32>
            tpu.vector_store_idx %arg18[%get3A_293, %add3A_350], %gather3A_347 {add = true} : memref<321x128xf32, #tpu.memory_space<vmem>>[vector<16xi32>, vector<16xi32>], vector<16xf32>,
            %add3A_351 = arith.constant 64 : i32
            %add3A_352 = vector.broadcast %add3A_351 : i32 to vector<16xi32>
            %add3A_353 = arith.addi %add3A_352, %and3A_323 : vector<16xi32>
            %gather3A_354 = tpu.vector_load_idx %arg16[%add3A_302, %add3A_353] : memref<64x128xf32, #tpu.memory_space<vmem>>[vector<16xi32>, vector<16xi32>], vector<16xf32>,
            %add3A_355 = arith.constant 64 : i32
            %add3A_356 = vector.broadcast %add3A_355 : i32 to vector<16xi32>
            %add3A_357 = arith.addi %add3A_356, %and3A_323 : vector<16xi32>
            tpu.vector_store_idx %arg18[%get3A_293, %add3A_357], %gather3A_354 {add = true} : memref<321x128xf32, #tpu.memory_space<vmem>>[vector<16xi32>, vector<16xi32>], vector<16xf32>,
            %add3A_358 = arith.constant 80 : i32
            %add3A_359 = vector.broadcast %add3A_358 : i32 to vector<16xi32>
            %add3A_360 = arith.addi %add3A_359, %and3A_323 : vector<16xi32>
            %gather3A_361 = tpu.vector_load_idx %arg16[%add3A_302, %add3A_360] : memref<64x128xf32, #tpu.memory_space<vmem>>[vector<16xi32>, vector<16xi32>], vector<16xf32>,
            %add3A_362 = arith.constant 80 : i32
            %add3A_363 = vector.broadcast %add3A_362 : i32 to vector<16xi32>
            %add3A_364 = arith.addi %add3A_363, %and3A_323 : vector<16xi32>
            tpu.vector_store_idx %arg18[%get3A_293, %add3A_364], %gather3A_361 {add = true} : memref<321x128xf32, #tpu.memory_space<vmem>>[vector<16xi32>, vector<16xi32>], vector<16xf32>,
            %add3A_365 = arith.constant 96 : i32
            %add3A_366 = vector.broadcast %add3A_365 : i32 to vector<16xi32>
            %add3A_367 = arith.addi %add3A_366, %and3A_323 : vector<16xi32>
            %gather3A_368 = tpu.vector_load_idx %arg16[%add3A_302, %add3A_367] : memref<64x128xf32, #tpu.memory_space<vmem>>[vector<16xi32>, vector<16xi32>], vector<16xf32>,
            %add3A_369 = arith.constant 96 : i32
            %add3A_370 = vector.broadcast %add3A_369 : i32 to vector<16xi32>
            %add3A_371 = arith.addi %add3A_370, %and3A_323 : vector<16xi32>
            tpu.vector_store_idx %arg18[%get3A_293, %add3A_371], %gather3A_368 {add = true} : memref<321x128xf32, #tpu.memory_space<vmem>>[vector<16xi32>, vector<16xi32>], vector<16xf32>,
            %add3A_372 = arith.constant 112 : i32
            %add3A_373 = vector.broadcast %add3A_372 : i32 to vector<16xi32>
            %add3A_374 = arith.addi %add3A_373, %and3A_323 : vector<16xi32>
            %gather3A_375 = tpu.vector_load_idx %arg16[%add3A_302, %add3A_374] : memref<64x128xf32, #tpu.memory_space<vmem>>[vector<16xi32>, vector<16xi32>], vector<16xf32>,
            %add3A_376 = arith.constant 112 : i32
            %add3A_377 = vector.broadcast %add3A_376 : i32 to vector<16xi32>
            %add3A_378 = arith.addi %add3A_377, %and3A_323 : vector<16xi32>
            tpu.vector_store_idx %arg18[%get3A_293, %add3A_378], %gather3A_375 {add = true} : memref<321x128xf32, #tpu.memory_space<vmem>>[vector<16xi32>, vector<16xi32>], vector<16xf32>,
            %add3A_379 = arith.addi %mul3A_308, %and3A_323 : vector<16xi32>
            %gather3A_380 = tpu.vector_load_idx %arg17[%add3A_302, %add3A_379] : memref<64x128xf32, #tpu.memory_space<vmem>>[vector<16xi32>, vector<16xi32>], vector<16xf32>,
            tpu.vector_store_idx %arg19[%get3A_293, %and3A_323], %gather3A_380 {add = true} : memref<321x32xf32, #tpu.memory_space<vmem>>[vector<16xi32>, vector<16xi32>], vector<16xf32>,
          }
          %scan3A_314 = arith.constant 16 : i32
          %add3A_315 = arith.constant 16 : i32
          %add3A_316 = vector.broadcast %add3A_315 : i32 to vector<16xi32>
          %add3A_317 = arith.addi %add3A_316, %iota3A : vector<16xi32>
          tpu.vector_store_idx %arg19[%get3A_293, %add3A_317], %broadcast_in_dim3A_3 {add = true} : memref<321x32xf32, #tpu.memory_space<vmem>>[vector<16xi32>, vector<16xi32>], vector<16xf32>,
        }
        %scan3A_287 = arith.constant 4 : i32
      }
    }
    %scan3A_8 = arith.constant 160 : i32
    "tpu.region"() ({
      %run_scoped3A = tpu.sem_alloc : memref<!tpu.dma_semaphore, #tpu.memory_space<semaphore_mem>>
      %dma_start3A = arith.constant 0 : i32
      %dma_start3A_9 = arith.constant 0 : i32
      %dma_start3A_10 = tpu.memref_slice %arg18[%dma_start3A, %dma_start3A_9] : memref<321x128xf32, #tpu.memory_space<vmem>> -> memref<320x128xf32, #tpu.memory_space<vmem>>
      %dma_start3A_11 = arith.constant 0 : i32
      %dma_start3A_12 = arith.constant 0 : i32
      %dma_start3A_13 = tpu.memref_slice %arg8[%add3A, %dma_start3A_11, %dma_start3A_12] : memref<32x320x128xf32, #tpu.memory_space<hbm>> -> memref<1x320x128xf32, #tpu.memory_space<hbm>>
      %dma_start3A_14 = tpu.memref_squeeze %dma_start3A_13 : memref<1x320x128xf32, #tpu.memory_space<hbm>> -> memref<320x128xf32, #tpu.memory_space<hbm>>
      %dma_start3A_15 = arith.constant 0 : i32
      %dma_start3A_16 = arith.constant 0 : i32
      %dma_start3A_17 = tpu.memref_slice %arg8[%add3A, %dma_start3A_15, %dma_start3A_16] : memref<32x320x128xf32, #tpu.memory_space<hbm>> -> memref<1x320x128xf32, #tpu.memory_space<hbm>>
      %dma_start3A_18 = tpu.memref_squeeze %dma_start3A_17 : memref<1x320x128xf32, #tpu.memory_space<hbm>> -> memref<320x128xf32, #tpu.memory_space<hbm>>
      %dma_start3A_19 = arith.constant 0 : i32
      %dma_start3A_20 = arith.constant 0 : i32
      %dma_start3A_21 = tpu.memref_slice %arg18[%dma_start3A_19, %dma_start3A_20] : memref<321x128xf32, #tpu.memory_space<vmem>> -> memref<320x128xf32, #tpu.memory_space<vmem>>
      tpu.enqueue_dma source(%dma_start3A_21 : memref<320x128xf32, #tpu.memory_space<vmem>>) target(%dma_start3A_18 : memref<320x128xf32, #tpu.memory_space<hbm>>) target_semaphore(%run_scoped3A : memref<!tpu.dma_semaphore, #tpu.memory_space<semaphore_mem>>)
      %dma_wait3A = arith.constant 0 : i32
      %dma_wait3A_22 = arith.constant 0 : i32
      %dma_wait3A_23 = tpu.memref_slice %arg18[%dma_wait3A, %dma_wait3A_22] : memref<321x128xf32, #tpu.memory_space<vmem>> -> memref<320x128xf32, #tpu.memory_space<vmem>>
      %dma_wait3A_24 = arith.constant 0 : i32
      %dma_wait3A_25 = arith.constant 0 : i32
      %dma_wait3A_26 = tpu.memref_slice %arg8[%add3A, %dma_wait3A_24, %dma_wait3A_25] : memref<32x320x128xf32, #tpu.memory_space<hbm>> -> memref<1x320x128xf32, #tpu.memory_space<hbm>>
      %dma_wait3A_27 = tpu.memref_squeeze %dma_wait3A_26 : memref<1x320x128xf32, #tpu.memory_space<hbm>> -> memref<320x128xf32, #tpu.memory_space<hbm>>
      %dma_wait3A_28 = arith.constant 0 : i32
      %dma_wait3A_29 = arith.constant 0 : i32
      %dma_wait3A_30 = tpu.memref_slice %arg8[%add3A, %dma_wait3A_28, %dma_wait3A_29] : memref<32x320x128xf32, #tpu.memory_space<hbm>> -> memref<1x320x128xf32, #tpu.memory_space<hbm>>
      %dma_wait3A_31 = tpu.memref_squeeze %dma_wait3A_30 : memref<1x320x128xf32, #tpu.memory_space<hbm>> -> memref<320x128xf32, #tpu.memory_space<hbm>>
      %dma_wait3A_32 = arith.constant 0 : i32
      %dma_wait3A_33 = arith.constant 0 : i32
      %dma_wait3A_34 = tpu.memref_slice %arg18[%dma_wait3A_32, %dma_wait3A_33] : memref<321x128xf32, #tpu.memory_space<vmem>> -> memref<320x128xf32, #tpu.memory_space<vmem>>
      tpu.wait_dma2 semaphore(%run_scoped3A : memref<!tpu.dma_semaphore, #tpu.memory_space<semaphore_mem>>) src(%dma_wait3A_34 : memref<320x128xf32, #tpu.memory_space<vmem>>) dst(%dma_wait3A_31 : memref<320x128xf32, #tpu.memory_space<hbm>>)
      tpu.yield
    }) : () -> ()
    "tpu.region"() ({
      %run_scoped3A = tpu.sem_alloc : memref<!tpu.dma_semaphore, #tpu.memory_space<semaphore_mem>>
      %dma_start3A = arith.constant 0 : i32
      %dma_start3A_9 = arith.constant 0 : i32
      %dma_start3A_10 = tpu.memref_slice %arg19[%dma_start3A, %dma_start3A_9] : memref<321x32xf32, #tpu.memory_space<vmem>> -> memref<320x32xf32, #tpu.memory_space<vmem>>
      %dma_start3A_11 = arith.constant 0 : i32
      %dma_start3A_12 = arith.constant 0 : i32
      %dma_start3A_13 = tpu.memref_slice %arg9[%add3A, %dma_start3A_11, %dma_start3A_12] : memref<32x320x32xf32, #tpu.memory_space<hbm>> -> memref<1x320x32xf32, #tpu.memory_space<hbm>>
      %dma_start3A_14 = tpu.memref_squeeze %dma_start3A_13 : memref<1x320x32xf32, #tpu.memory_space<hbm>> -> memref<320x32xf32, #tpu.memory_space<hbm>>
      %dma_start3A_15 = arith.constant 0 : i32
      %dma_start3A_16 = arith.constant 0 : i32
      %dma_start3A_17 = tpu.memref_slice %arg9[%add3A, %dma_start3A_15, %dma_start3A_16] : memref<32x320x32xf32, #tpu.memory_space<hbm>> -> memref<1x320x32xf32, #tpu.memory_space<hbm>>
      %dma_start3A_18 = tpu.memref_squeeze %dma_start3A_17 : memref<1x320x32xf32, #tpu.memory_space<hbm>> -> memref<320x32xf32, #tpu.memory_space<hbm>>
      %dma_start3A_19 = arith.constant 0 : i32
      %dma_start3A_20 = arith.constant 0 : i32
      %dma_start3A_21 = tpu.memref_slice %arg19[%dma_start3A_19, %dma_start3A_20] : memref<321x32xf32, #tpu.memory_space<vmem>> -> memref<320x32xf32, #tpu.memory_space<vmem>>
      tpu.enqueue_dma source(%dma_start3A_21 : memref<320x32xf32, #tpu.memory_space<vmem>>) target(%dma_start3A_18 : memref<320x32xf32, #tpu.memory_space<hbm>>) target_semaphore(%run_scoped3A : memref<!tpu.dma_semaphore, #tpu.memory_space<semaphore_mem>>)
      %dma_wait3A = arith.constant 0 : i32
      %dma_wait3A_22 = arith.constant 0 : i32
      %dma_wait3A_23 = tpu.memref_slice %arg19[%dma_wait3A, %dma_wait3A_22] : memref<321x32xf32, #tpu.memory_space<vmem>> -> memref<320x32xf32, #tpu.memory_space<vmem>>
      %dma_wait3A_24 = arith.constant 0 : i32
      %dma_wait3A_25 = arith.constant 0 : i32
      %dma_wait3A_26 = tpu.memref_slice %arg9[%add3A, %dma_wait3A_24, %dma_wait3A_25] : memref<32x320x32xf32, #tpu.memory_space<hbm>> -> memref<1x320x32xf32, #tpu.memory_space<hbm>>
      %dma_wait3A_27 = tpu.memref_squeeze %dma_wait3A_26 : memref<1x320x32xf32, #tpu.memory_space<hbm>> -> memref<320x32xf32, #tpu.memory_space<hbm>>
      %dma_wait3A_28 = arith.constant 0 : i32
      %dma_wait3A_29 = arith.constant 0 : i32
      %dma_wait3A_30 = tpu.memref_slice %arg9[%add3A, %dma_wait3A_28, %dma_wait3A_29] : memref<32x320x32xf32, #tpu.memory_space<hbm>> -> memref<1x320x32xf32, #tpu.memory_space<hbm>>
      %dma_wait3A_31 = tpu.memref_squeeze %dma_wait3A_30 : memref<1x320x32xf32, #tpu.memory_space<hbm>> -> memref<320x32xf32, #tpu.memory_space<hbm>>
      %dma_wait3A_32 = arith.constant 0 : i32
      %dma_wait3A_33 = arith.constant 0 : i32
      %dma_wait3A_34 = tpu.memref_slice %arg19[%dma_wait3A_32, %dma_wait3A_33] : memref<321x32xf32, #tpu.memory_space<vmem>> -> memref<320x32xf32, #tpu.memory_space<vmem>>
      tpu.wait_dma2 semaphore(%run_scoped3A : memref<!tpu.dma_semaphore, #tpu.memory_space<semaphore_mem>>) src(%dma_wait3A_34 : memref<320x32xf32, #tpu.memory_space<vmem>>) dst(%dma_wait3A_31 : memref<320x32xf32, #tpu.memory_space<hbm>>)
      tpu.yield
    }) : () -> ()
    return
  }
}

module attributes {stable_mosaic.version = 14 : i64} {
  func.func @_tc_body(%arg0: i32, %arg1: memref<1000x128xf32, #tpu.memory_space<vmem>>, %arg2: memref<1000x128xf32, #tpu.memory_space<vmem>>, %arg3: memref<1000x32xf32, #tpu.memory_space<vmem>>, %arg4: memref<128x128xf32, #tpu.memory_space<vmem>>, %arg5: memref<6x128x128xf32, #tpu.memory_space<vmem>>, %arg6: memref<6x16x128xf32, #tpu.memory_space<vmem>>, %arg7: memref<6x128xf32, #tpu.memory_space<vmem>>, %arg8: memref<128x128xf32, #tpu.memory_space<vmem>>, %arg9: memref<1x128xf32, #tpu.memory_space<vmem>>, %arg10: memref<1x128xf32, #tpu.memory_space<vmem>>) attributes {dimension_semantics = [#tpu.dimension_semantics<arbitrary>], iteration_bounds = array<i64: 10>, scalar_prefetch = 0 : i64, scratch_operands = 0 : i64, tpu.core_type = #tpu.core_type<tc>, window_params = [{transform_indices = @transform_0, window_bounds = array<i64: 1000, 128>}, {transform_indices = @transform_1, window_bounds = array<i64: 1000, 128>}, {transform_indices = @transform_2, window_bounds = array<i64: 1000, 32>}, {pipeline_mode = #tpu.pipeline_mode<synchronous>, transform_indices = @transform_3, window_bounds = array<i64: 128, 128>}, {pipeline_mode = #tpu.pipeline_mode<synchronous>, transform_indices = @transform_4, window_bounds = array<i64: 6, 128, 128>}, {pipeline_mode = #tpu.pipeline_mode<synchronous>, transform_indices = @transform_5, window_bounds = array<i64: 6, 16, 128>}, {pipeline_mode = #tpu.pipeline_mode<synchronous>, transform_indices = @transform_6, window_bounds = array<i64: 6, 128>}, {pipeline_mode = #tpu.pipeline_mode<synchronous>, transform_indices = @transform_7, window_bounds = array<i64: 128, 128>}, {pipeline_mode = #tpu.pipeline_mode<synchronous>, transform_indices = @transform_8, window_bounds = array<i64: 1, 128>}, {pipeline_mode = #tpu.pipeline_mode<synchronous>, transform_indices = @transform_9, window_bounds = array<i64: 1, 128>}]} {
    %get3A = arith.constant 0 : index
    %get3A_0 = arith.constant 0 : index
    %get3A_1 = vector.load %arg1[%get3A, %get3A_0] : memref<1000x128xf32, #tpu.memory_space<vmem>>, vector<1000x128xf32>
    %get3A_2 = arith.constant 0 : index
    %get3A_3 = arith.constant 0 : index
    %get3A_4 = vector.load %arg4[%get3A_2, %get3A_3] : memref<128x128xf32, #tpu.memory_space<vmem>>, vector<128x128xf32>
    %dot_general3A = arith.constant dense<0.000000e+00> : vector<1000x128xf32>
    %dot_general3A_5 = tpu.matmul %get3A_1, %get3A_4, %dot_general3A {dimension_numbers = #tpu.dot_dimension_numbers<[1], [0], [0], [1], [0, 0, 1, 1], [], []>, transpose_lhs_hint = false} : vector<1000x128xf32>, vector<128x128xf32>, vector<1000x128xf32> -> vector<1000x128xf32>
    %reduce_max3A = arith.constant dense<0xFF800000> : vector<1000xf32>
    %reduce_max3A_6 = vector.multi_reduction <maximumf>, %dot_general3A_5, %reduce_max3A [1] : vector<1000x128xf32> to vector<1000xf32>
    %max3A = arith.constant 0xFF800000 : f32
    %max3A_7 = vector.broadcast %max3A : f32 to vector<1000xf32>
    %max3A_8 = arith.maximumf %max3A_7, %reduce_max3A_6 : vector<1000xf32>
    %broadcast_in_dim3A = vector.shape_cast %max3A_8 : vector<1000xf32> to vector<1000x1xf32>
    %sub3A = vector.broadcast %broadcast_in_dim3A : vector<1000x1xf32> to vector<1000x128xf32>
    %sub3A_9 = arith.subf %dot_general3A_5, %sub3A : vector<1000x128xf32>
    %exp3A = math.exp %sub3A_9 : vector<1000x128xf32>
    %reduce_sum3A = arith.constant dense<0.000000e+00> : vector<1000xf32>
    %reduce_sum3A_10 = vector.multi_reduction <add>, %exp3A, %reduce_sum3A [1] : vector<1000x128xf32> to vector<1000xf32>
    %broadcast_in_dim3A_11 = vector.shape_cast %reduce_sum3A_10 : vector<1000xf32> to vector<1000x1xf32>
    %div3A = vector.broadcast %broadcast_in_dim3A_11 : vector<1000x1xf32> to vector<1000x128xf32>
    %div3A_12 = arith.divf %exp3A, %div3A : vector<1000x128xf32>
    %get3A_13 = arith.constant 0 : index
    %get3A_14 = arith.constant 0 : index
    %get3A_15 = vector.load %arg2[%get3A_13, %get3A_14] : memref<1000x128xf32, #tpu.memory_space<vmem>>, vector<1000x128xf32>
    %get3A_16 = arith.constant 0 : index
    %get3A_17 = arith.constant 0 : index
    %get3A_18 = vector.load %arg3[%get3A_16, %get3A_17] : memref<1000x32xf32, #tpu.memory_space<vmem>>, vector<1000x32xf32>
    %slice3A = vector.extract_strided_slice %get3A_18 {offsets = [0, 0], sizes = [1000, 16], strides = [1, 1]} : vector<1000x32xf32> to vector<1000x16xf32>
    %get3A_19 = arith.constant 0 : index
    %get3A_20 = arith.constant 0 : index
    %get3A_21 = vector.load %arg3[%get3A_19, %get3A_20] : memref<1000x32xf32, #tpu.memory_space<vmem>>, vector<1000x32xf32>
    %slice3A_22 = vector.extract_strided_slice %get3A_21 {offsets = [0, 16], sizes = [1000, 16], strides = [1, 1]} : vector<1000x32xf32> to vector<1000x16xf32>
    %reduce_sum3A_23 = arith.constant dense<0.000000e+00> : vector<1000xf32>
    %reduce_sum3A_24 = vector.multi_reduction <add>, %slice3A_22, %reduce_sum3A_23 [1] : vector<1000x16xf32> to vector<1000xf32>
    %min3A = arith.constant 5.000000e+00 : f32
    %min3A_25 = vector.broadcast %min3A : f32 to vector<1000xf32>
    %min3A_26 = arith.minimumf %reduce_sum3A_24, %min3A_25 : vector<1000xf32>
    %broadcast_in_dim3A_27 = arith.constant 0.000000e+00 : f32
    %broadcast_in_dim3A_28 = vector.broadcast %broadcast_in_dim3A_27 : f32 to vector<1000x128xf32>
    %get3A_29 = arith.constant 0 : index
    %get3A_30 = arith.constant 0 : index
    %get3A_31 = arith.constant 0 : index
    %get3A_32 = vector.load %arg5[%get3A_29, %get3A_30, %get3A_31] : memref<6x128x128xf32, #tpu.memory_space<vmem>>, vector<1x128x128xf32>
    %get3A_33 = vector.shape_cast %get3A_32 : vector<1x128x128xf32> to vector<128x128xf32>
    %dot_general3A_34 = arith.constant dense<0.000000e+00> : vector<1000x128xf32>
    %dot_general3A_35 = tpu.matmul %get3A_15, %get3A_33, %dot_general3A_34 {dimension_numbers = #tpu.dot_dimension_numbers<[1], [0], [0], [1], [0, 0, 1, 1], [], []>, transpose_lhs_hint = false} : vector<1000x128xf32>, vector<128x128xf32>, vector<1000x128xf32> -> vector<1000x128xf32>
    %get3A_36 = arith.constant 0 : index
    %get3A_37 = arith.constant 0 : index
    %get3A_38 = arith.constant 0 : index
    %get3A_39 = vector.load %arg6[%get3A_36, %get3A_37, %get3A_38] : memref<6x16x128xf32, #tpu.memory_space<vmem>>, vector<1x16x128xf32>
    %get3A_40 = vector.shape_cast %get3A_39 : vector<1x16x128xf32> to vector<16x128xf32>
    %dot_general3A_41 = arith.constant dense<0.000000e+00> : vector<1000x128xf32>
    %dot_general3A_42 = tpu.matmul %slice3A, %get3A_40, %dot_general3A_41 {dimension_numbers = #tpu.dot_dimension_numbers<[1], [0], [0], [1], [0, 0, 1, 1], [], []>, transpose_lhs_hint = false} : vector<1000x16xf32>, vector<16x128xf32>, vector<1000x128xf32> -> vector<1000x128xf32>
    %add3A = arith.addf %dot_general3A_35, %dot_general3A_42 : vector<1000x128xf32>
    %get3A_43 = arith.constant 0 : index
    %get3A_44 = arith.constant 0 : index
    %get3A_45 = vector.load %arg7[%get3A_43, %get3A_44] : memref<6x128xf32, #tpu.memory_space<vmem>>, vector<1x128xf32>
    %get3A_46 = vector.shape_cast %get3A_45 : vector<1x128xf32> to vector<128xf32>
    %broadcast_in_dim3A_47 = vector.shape_cast %get3A_46 : vector<128xf32> to vector<1x128xf32>
    %add3A_48 = vector.broadcast %broadcast_in_dim3A_47 : vector<1x128xf32> to vector<1000x128xf32>
    %add3A_49 = arith.addf %add3A, %add3A_48 : vector<1000x128xf32>
    %eq3A = arith.constant 0.000000e+00 : f32
    %eq3A_50 = vector.broadcast %eq3A : f32 to vector<1000xf32>
    %eq3A_51 = arith.cmpf oeq, %min3A_26, %eq3A_50 : vector<1000xf32>
    %broadcast_in_dim3A_52 = vector.shape_cast %eq3A_51 : vector<1000xi1> to vector<1000x1xi1>
    %jit3A = arith.constant 0.000000e+00 : f32
    %broadcast_in_dim3A_53 = vector.shape_cast %broadcast_in_dim3A_52 : vector<1000x1xi1> to vector<1000x1xi1>
    %broadcast_in_dim3A_54 = vector.broadcast %broadcast_in_dim3A_53 : vector<1000x1xi1> to vector<1000x128xi1>
    %broadcast_in_dim3A_55 = vector.broadcast %jit3A : f32 to vector<1000x128xf32>
    %select_n3A = arith.select %broadcast_in_dim3A_54, %add3A_49, %broadcast_in_dim3A_55 : vector<1000x128xi1>, vector<1000x128xf32>
    %add3A_56 = arith.addf %broadcast_in_dim3A_28, %select_n3A : vector<1000x128xf32>
    %get3A_57 = arith.constant 1 : index
    %get3A_58 = arith.constant 0 : index
    %get3A_59 = arith.constant 0 : index
    %get3A_60 = vector.load %arg5[%get3A_57, %get3A_58, %get3A_59] : memref<6x128x128xf32, #tpu.memory_space<vmem>>, vector<1x128x128xf32>
    %get3A_61 = vector.shape_cast %get3A_60 : vector<1x128x128xf32> to vector<128x128xf32>
    %dot_general3A_62 = arith.constant dense<0.000000e+00> : vector<1000x128xf32>
    %dot_general3A_63 = tpu.matmul %get3A_15, %get3A_61, %dot_general3A_62 {dimension_numbers = #tpu.dot_dimension_numbers<[1], [0], [0], [1], [0, 0, 1, 1], [], []>, transpose_lhs_hint = false} : vector<1000x128xf32>, vector<128x128xf32>, vector<1000x128xf32> -> vector<1000x128xf32>
    %get3A_64 = arith.constant 1 : index
    %get3A_65 = arith.constant 0 : index
    %get3A_66 = arith.constant 0 : index
    %get3A_67 = vector.load %arg6[%get3A_64, %get3A_65, %get3A_66] : memref<6x16x128xf32, #tpu.memory_space<vmem>>, vector<1x16x128xf32>
    %get3A_68 = vector.shape_cast %get3A_67 : vector<1x16x128xf32> to vector<16x128xf32>
    %dot_general3A_69 = arith.constant dense<0.000000e+00> : vector<1000x128xf32>
    %dot_general3A_70 = tpu.matmul %slice3A, %get3A_68, %dot_general3A_69 {dimension_numbers = #tpu.dot_dimension_numbers<[1], [0], [0], [1], [0, 0, 1, 1], [], []>, transpose_lhs_hint = false} : vector<1000x16xf32>, vector<16x128xf32>, vector<1000x128xf32> -> vector<1000x128xf32>
    %add3A_71 = arith.addf %dot_general3A_63, %dot_general3A_70 : vector<1000x128xf32>
    %get3A_72 = arith.constant 1 : index
    %get3A_73 = arith.constant 0 : index
    %get3A_74 = vector.load %arg7[%get3A_72, %get3A_73] : memref<6x128xf32, #tpu.memory_space<vmem>>, vector<1x128xf32>
    %get3A_75 = vector.shape_cast %get3A_74 : vector<1x128xf32> to vector<128xf32>
    %broadcast_in_dim3A_76 = vector.shape_cast %get3A_75 : vector<128xf32> to vector<1x128xf32>
    %add3A_77 = vector.broadcast %broadcast_in_dim3A_76 : vector<1x128xf32> to vector<1000x128xf32>
    %add3A_78 = arith.addf %add3A_71, %add3A_77 : vector<1000x128xf32>
    %eq3A_79 = arith.constant 1.000000e+00 : f32
    %eq3A_80 = vector.broadcast %eq3A_79 : f32 to vector<1000xf32>
    %eq3A_81 = arith.cmpf oeq, %min3A_26, %eq3A_80 : vector<1000xf32>
    %broadcast_in_dim3A_82 = vector.shape_cast %eq3A_81 : vector<1000xi1> to vector<1000x1xi1>
    %jit3A_83 = arith.constant 0.000000e+00 : f32
    %broadcast_in_dim3A_84 = vector.shape_cast %broadcast_in_dim3A_82 : vector<1000x1xi1> to vector<1000x1xi1>
    %broadcast_in_dim3A_85 = vector.broadcast %broadcast_in_dim3A_84 : vector<1000x1xi1> to vector<1000x128xi1>
    %broadcast_in_dim3A_86 = vector.broadcast %jit3A_83 : f32 to vector<1000x128xf32>
    %select_n3A_87 = arith.select %broadcast_in_dim3A_85, %add3A_78, %broadcast_in_dim3A_86 : vector<1000x128xi1>, vector<1000x128xf32>
    %add3A_88 = arith.addf %add3A_56, %select_n3A_87 : vector<1000x128xf32>
    %get3A_89 = arith.constant 2 : index
    %get3A_90 = arith.constant 0 : index
    %get3A_91 = arith.constant 0 : index
    %get3A_92 = vector.load %arg5[%get3A_89, %get3A_90, %get3A_91] : memref<6x128x128xf32, #tpu.memory_space<vmem>>, vector<1x128x128xf32>
    %get3A_93 = vector.shape_cast %get3A_92 : vector<1x128x128xf32> to vector<128x128xf32>
    %dot_general3A_94 = arith.constant dense<0.000000e+00> : vector<1000x128xf32>
    %dot_general3A_95 = tpu.matmul %get3A_15, %get3A_93, %dot_general3A_94 {dimension_numbers = #tpu.dot_dimension_numbers<[1], [0], [0], [1], [0, 0, 1, 1], [], []>, transpose_lhs_hint = false} : vector<1000x128xf32>, vector<128x128xf32>, vector<1000x128xf32> -> vector<1000x128xf32>
    %get3A_96 = arith.constant 2 : index
    %get3A_97 = arith.constant 0 : index
    %get3A_98 = arith.constant 0 : index
    %get3A_99 = vector.load %arg6[%get3A_96, %get3A_97, %get3A_98] : memref<6x16x128xf32, #tpu.memory_space<vmem>>, vector<1x16x128xf32>
    %get3A_100 = vector.shape_cast %get3A_99 : vector<1x16x128xf32> to vector<16x128xf32>
    %dot_general3A_101 = arith.constant dense<0.000000e+00> : vector<1000x128xf32>
    %dot_general3A_102 = tpu.matmul %slice3A, %get3A_100, %dot_general3A_101 {dimension_numbers = #tpu.dot_dimension_numbers<[1], [0], [0], [1], [0, 0, 1, 1], [], []>, transpose_lhs_hint = false} : vector<1000x16xf32>, vector<16x128xf32>, vector<1000x128xf32> -> vector<1000x128xf32>
    %add3A_103 = arith.addf %dot_general3A_95, %dot_general3A_102 : vector<1000x128xf32>
    %get3A_104 = arith.constant 2 : index
    %get3A_105 = arith.constant 0 : index
    %get3A_106 = vector.load %arg7[%get3A_104, %get3A_105] : memref<6x128xf32, #tpu.memory_space<vmem>>, vector<1x128xf32>
    %get3A_107 = vector.shape_cast %get3A_106 : vector<1x128xf32> to vector<128xf32>
    %broadcast_in_dim3A_108 = vector.shape_cast %get3A_107 : vector<128xf32> to vector<1x128xf32>
    %add3A_109 = vector.broadcast %broadcast_in_dim3A_108 : vector<1x128xf32> to vector<1000x128xf32>
    %add3A_110 = arith.addf %add3A_103, %add3A_109 : vector<1000x128xf32>
    %eq3A_111 = arith.constant 2.000000e+00 : f32
    %eq3A_112 = vector.broadcast %eq3A_111 : f32 to vector<1000xf32>
    %eq3A_113 = arith.cmpf oeq, %min3A_26, %eq3A_112 : vector<1000xf32>
    %broadcast_in_dim3A_114 = vector.shape_cast %eq3A_113 : vector<1000xi1> to vector<1000x1xi1>
    %jit3A_115 = arith.constant 0.000000e+00 : f32
    %broadcast_in_dim3A_116 = vector.shape_cast %broadcast_in_dim3A_114 : vector<1000x1xi1> to vector<1000x1xi1>
    %broadcast_in_dim3A_117 = vector.broadcast %broadcast_in_dim3A_116 : vector<1000x1xi1> to vector<1000x128xi1>
    %broadcast_in_dim3A_118 = vector.broadcast %jit3A_115 : f32 to vector<1000x128xf32>
    %select_n3A_119 = arith.select %broadcast_in_dim3A_117, %add3A_110, %broadcast_in_dim3A_118 : vector<1000x128xi1>, vector<1000x128xf32>
    %add3A_120 = arith.addf %add3A_88, %select_n3A_119 : vector<1000x128xf32>
    %get3A_121 = arith.constant 3 : index
    %get3A_122 = arith.constant 0 : index
    %get3A_123 = arith.constant 0 : index
    %get3A_124 = vector.load %arg5[%get3A_121, %get3A_122, %get3A_123] : memref<6x128x128xf32, #tpu.memory_space<vmem>>, vector<1x128x128xf32>
    %get3A_125 = vector.shape_cast %get3A_124 : vector<1x128x128xf32> to vector<128x128xf32>
    %dot_general3A_126 = arith.constant dense<0.000000e+00> : vector<1000x128xf32>
    %dot_general3A_127 = tpu.matmul %get3A_15, %get3A_125, %dot_general3A_126 {dimension_numbers = #tpu.dot_dimension_numbers<[1], [0], [0], [1], [0, 0, 1, 1], [], []>, transpose_lhs_hint = false} : vector<1000x128xf32>, vector<128x128xf32>, vector<1000x128xf32> -> vector<1000x128xf32>
    %get3A_128 = arith.constant 3 : index
    %get3A_129 = arith.constant 0 : index
    %get3A_130 = arith.constant 0 : index
    %get3A_131 = vector.load %arg6[%get3A_128, %get3A_129, %get3A_130] : memref<6x16x128xf32, #tpu.memory_space<vmem>>, vector<1x16x128xf32>
    %get3A_132 = vector.shape_cast %get3A_131 : vector<1x16x128xf32> to vector<16x128xf32>
    %dot_general3A_133 = arith.constant dense<0.000000e+00> : vector<1000x128xf32>
    %dot_general3A_134 = tpu.matmul %slice3A, %get3A_132, %dot_general3A_133 {dimension_numbers = #tpu.dot_dimension_numbers<[1], [0], [0], [1], [0, 0, 1, 1], [], []>, transpose_lhs_hint = false} : vector<1000x16xf32>, vector<16x128xf32>, vector<1000x128xf32> -> vector<1000x128xf32>
    %add3A_135 = arith.addf %dot_general3A_127, %dot_general3A_134 : vector<1000x128xf32>
    %get3A_136 = arith.constant 3 : index
    %get3A_137 = arith.constant 0 : index
    %get3A_138 = vector.load %arg7[%get3A_136, %get3A_137] : memref<6x128xf32, #tpu.memory_space<vmem>>, vector<1x128xf32>
    %get3A_139 = vector.shape_cast %get3A_138 : vector<1x128xf32> to vector<128xf32>
    %broadcast_in_dim3A_140 = vector.shape_cast %get3A_139 : vector<128xf32> to vector<1x128xf32>
    %add3A_141 = vector.broadcast %broadcast_in_dim3A_140 : vector<1x128xf32> to vector<1000x128xf32>
    %add3A_142 = arith.addf %add3A_135, %add3A_141 : vector<1000x128xf32>
    %eq3A_143 = arith.constant 3.000000e+00 : f32
    %eq3A_144 = vector.broadcast %eq3A_143 : f32 to vector<1000xf32>
    %eq3A_145 = arith.cmpf oeq, %min3A_26, %eq3A_144 : vector<1000xf32>
    %broadcast_in_dim3A_146 = vector.shape_cast %eq3A_145 : vector<1000xi1> to vector<1000x1xi1>
    %jit3A_147 = arith.constant 0.000000e+00 : f32
    %broadcast_in_dim3A_148 = vector.shape_cast %broadcast_in_dim3A_146 : vector<1000x1xi1> to vector<1000x1xi1>
    %broadcast_in_dim3A_149 = vector.broadcast %broadcast_in_dim3A_148 : vector<1000x1xi1> to vector<1000x128xi1>
    %broadcast_in_dim3A_150 = vector.broadcast %jit3A_147 : f32 to vector<1000x128xf32>
    %select_n3A_151 = arith.select %broadcast_in_dim3A_149, %add3A_142, %broadcast_in_dim3A_150 : vector<1000x128xi1>, vector<1000x128xf32>
    %add3A_152 = arith.addf %add3A_120, %select_n3A_151 : vector<1000x128xf32>
    %get3A_153 = arith.constant 4 : index
    %get3A_154 = arith.constant 0 : index
    %get3A_155 = arith.constant 0 : index
    %get3A_156 = vector.load %arg5[%get3A_153, %get3A_154, %get3A_155] : memref<6x128x128xf32, #tpu.memory_space<vmem>>, vector<1x128x128xf32>
    %get3A_157 = vector.shape_cast %get3A_156 : vector<1x128x128xf32> to vector<128x128xf32>
    %dot_general3A_158 = arith.constant dense<0.000000e+00> : vector<1000x128xf32>
    %dot_general3A_159 = tpu.matmul %get3A_15, %get3A_157, %dot_general3A_158 {dimension_numbers = #tpu.dot_dimension_numbers<[1], [0], [0], [1], [0, 0, 1, 1], [], []>, transpose_lhs_hint = false} : vector<1000x128xf32>, vector<128x128xf32>, vector<1000x128xf32> -> vector<1000x128xf32>
    %get3A_160 = arith.constant 4 : index
    %get3A_161 = arith.constant 0 : index
    %get3A_162 = arith.constant 0 : index
    %get3A_163 = vector.load %arg6[%get3A_160, %get3A_161, %get3A_162] : memref<6x16x128xf32, #tpu.memory_space<vmem>>, vector<1x16x128xf32>
    %get3A_164 = vector.shape_cast %get3A_163 : vector<1x16x128xf32> to vector<16x128xf32>
    %dot_general3A_165 = arith.constant dense<0.000000e+00> : vector<1000x128xf32>
    %dot_general3A_166 = tpu.matmul %slice3A, %get3A_164, %dot_general3A_165 {dimension_numbers = #tpu.dot_dimension_numbers<[1], [0], [0], [1], [0, 0, 1, 1], [], []>, transpose_lhs_hint = false} : vector<1000x16xf32>, vector<16x128xf32>, vector<1000x128xf32> -> vector<1000x128xf32>
    %add3A_167 = arith.addf %dot_general3A_159, %dot_general3A_166 : vector<1000x128xf32>
    %get3A_168 = arith.constant 4 : index
    %get3A_169 = arith.constant 0 : index
    %get3A_170 = vector.load %arg7[%get3A_168, %get3A_169] : memref<6x128xf32, #tpu.memory_space<vmem>>, vector<1x128xf32>
    %get3A_171 = vector.shape_cast %get3A_170 : vector<1x128xf32> to vector<128xf32>
    %broadcast_in_dim3A_172 = vector.shape_cast %get3A_171 : vector<128xf32> to vector<1x128xf32>
    %add3A_173 = vector.broadcast %broadcast_in_dim3A_172 : vector<1x128xf32> to vector<1000x128xf32>
    %add3A_174 = arith.addf %add3A_167, %add3A_173 : vector<1000x128xf32>
    %eq3A_175 = arith.constant 4.000000e+00 : f32
    %eq3A_176 = vector.broadcast %eq3A_175 : f32 to vector<1000xf32>
    %eq3A_177 = arith.cmpf oeq, %min3A_26, %eq3A_176 : vector<1000xf32>
    %broadcast_in_dim3A_178 = vector.shape_cast %eq3A_177 : vector<1000xi1> to vector<1000x1xi1>
    %jit3A_179 = arith.constant 0.000000e+00 : f32
    %broadcast_in_dim3A_180 = vector.shape_cast %broadcast_in_dim3A_178 : vector<1000x1xi1> to vector<1000x1xi1>
    %broadcast_in_dim3A_181 = vector.broadcast %broadcast_in_dim3A_180 : vector<1000x1xi1> to vector<1000x128xi1>
    %broadcast_in_dim3A_182 = vector.broadcast %jit3A_179 : f32 to vector<1000x128xf32>
    %select_n3A_183 = arith.select %broadcast_in_dim3A_181, %add3A_174, %broadcast_in_dim3A_182 : vector<1000x128xi1>, vector<1000x128xf32>
    %add3A_184 = arith.addf %add3A_152, %select_n3A_183 : vector<1000x128xf32>
    %get3A_185 = arith.constant 5 : index
    %get3A_186 = arith.constant 0 : index
    %get3A_187 = arith.constant 0 : index
    %get3A_188 = vector.load %arg5[%get3A_185, %get3A_186, %get3A_187] : memref<6x128x128xf32, #tpu.memory_space<vmem>>, vector<1x128x128xf32>
    %get3A_189 = vector.shape_cast %get3A_188 : vector<1x128x128xf32> to vector<128x128xf32>
    %dot_general3A_190 = arith.constant dense<0.000000e+00> : vector<1000x128xf32>
    %dot_general3A_191 = tpu.matmul %get3A_15, %get3A_189, %dot_general3A_190 {dimension_numbers = #tpu.dot_dimension_numbers<[1], [0], [0], [1], [0, 0, 1, 1], [], []>, transpose_lhs_hint = false} : vector<1000x128xf32>, vector<128x128xf32>, vector<1000x128xf32> -> vector<1000x128xf32>
    %get3A_192 = arith.constant 5 : index
    %get3A_193 = arith.constant 0 : index
    %get3A_194 = arith.constant 0 : index
    %get3A_195 = vector.load %arg6[%get3A_192, %get3A_193, %get3A_194] : memref<6x16x128xf32, #tpu.memory_space<vmem>>, vector<1x16x128xf32>
    %get3A_196 = vector.shape_cast %get3A_195 : vector<1x16x128xf32> to vector<16x128xf32>
    %dot_general3A_197 = arith.constant dense<0.000000e+00> : vector<1000x128xf32>
    %dot_general3A_198 = tpu.matmul %slice3A, %get3A_196, %dot_general3A_197 {dimension_numbers = #tpu.dot_dimension_numbers<[1], [0], [0], [1], [0, 0, 1, 1], [], []>, transpose_lhs_hint = false} : vector<1000x16xf32>, vector<16x128xf32>, vector<1000x128xf32> -> vector<1000x128xf32>
    %add3A_199 = arith.addf %dot_general3A_191, %dot_general3A_198 : vector<1000x128xf32>
    %get3A_200 = arith.constant 5 : index
    %get3A_201 = arith.constant 0 : index
    %get3A_202 = vector.load %arg7[%get3A_200, %get3A_201] : memref<6x128xf32, #tpu.memory_space<vmem>>, vector<1x128xf32>
    %get3A_203 = vector.shape_cast %get3A_202 : vector<1x128xf32> to vector<128xf32>
    %broadcast_in_dim3A_204 = vector.shape_cast %get3A_203 : vector<128xf32> to vector<1x128xf32>
    %add3A_205 = vector.broadcast %broadcast_in_dim3A_204 : vector<1x128xf32> to vector<1000x128xf32>
    %add3A_206 = arith.addf %add3A_199, %add3A_205 : vector<1000x128xf32>
    %eq3A_207 = arith.constant 5.000000e+00 : f32
    %eq3A_208 = vector.broadcast %eq3A_207 : f32 to vector<1000xf32>
    %eq3A_209 = arith.cmpf oeq, %min3A_26, %eq3A_208 : vector<1000xf32>
    %broadcast_in_dim3A_210 = vector.shape_cast %eq3A_209 : vector<1000xi1> to vector<1000x1xi1>
    %jit3A_211 = arith.constant 0.000000e+00 : f32
    %broadcast_in_dim3A_212 = vector.shape_cast %broadcast_in_dim3A_210 : vector<1000x1xi1> to vector<1000x1xi1>
    %broadcast_in_dim3A_213 = vector.broadcast %broadcast_in_dim3A_212 : vector<1000x1xi1> to vector<1000x128xi1>
    %broadcast_in_dim3A_214 = vector.broadcast %jit3A_211 : f32 to vector<1000x128xf32>
    %select_n3A_215 = arith.select %broadcast_in_dim3A_213, %add3A_206, %broadcast_in_dim3A_214 : vector<1000x128xi1>, vector<1000x128xf32>
    %add3A_216 = arith.addf %add3A_184, %select_n3A_215 : vector<1000x128xf32>
    %logistic3A = arith.negf %add3A_216 : vector<1000x128xf32>
    %logistic3A_217 = math.exp %logistic3A : vector<1000x128xf32>
    %logistic3A_218 = arith.constant 1.000000e+00 : f32
    %logistic3A_219 = vector.broadcast %logistic3A_218 : f32 to vector<1000x128xf32>
    %logistic3A_220 = arith.addf %logistic3A_219, %logistic3A_217 : vector<1000x128xf32>
    %logistic3A_221 = arith.divf %logistic3A_219, %logistic3A_220 : vector<1000x128xf32>
    %get3A_222 = arith.constant 0 : index
    %get3A_223 = arith.constant 0 : index
    %get3A_224 = vector.load %arg8[%get3A_222, %get3A_223] : memref<128x128xf32, #tpu.memory_space<vmem>>, vector<128x128xf32>
    %dot_general3A_225 = arith.constant dense<0.000000e+00> : vector<1000x128xf32>
    %dot_general3A_226 = tpu.matmul %logistic3A_221, %get3A_224, %dot_general3A_225 {dimension_numbers = #tpu.dot_dimension_numbers<[1], [0], [0], [1], [0, 0, 1, 1], [], []>, transpose_lhs_hint = false} : vector<1000x128xf32>, vector<128x128xf32>, vector<1000x128xf32> -> vector<1000x128xf32>
    %get3A_227 = arith.constant 0 : index
    %get3A_228 = arith.constant 0 : index
    %get3A_229 = vector.load %arg9[%get3A_227, %get3A_228] : memref<1x128xf32, #tpu.memory_space<vmem>>, vector<1x128xf32>
    %add3A_230 = vector.broadcast %get3A_229 : vector<1x128xf32> to vector<1000x128xf32>
    %add3A_231 = arith.addf %dot_general3A_226, %add3A_230 : vector<1000x128xf32>
    %reduce_max3A_232 = arith.constant dense<0xFF800000> : vector<1000xf32>
    %reduce_max3A_233 = vector.multi_reduction <maximumf>, %add3A_231, %reduce_max3A_232 [1] : vector<1000x128xf32> to vector<1000xf32>
    %max3A_234 = arith.constant 0xFF800000 : f32
    %max3A_235 = vector.broadcast %max3A_234 : f32 to vector<1000xf32>
    %max3A_236 = arith.maximumf %max3A_235, %reduce_max3A_233 : vector<1000xf32>
    %broadcast_in_dim3A_237 = vector.shape_cast %max3A_236 : vector<1000xf32> to vector<1000x1xf32>
    %sub3A_238 = vector.broadcast %broadcast_in_dim3A_237 : vector<1000x1xf32> to vector<1000x128xf32>
    %sub3A_239 = arith.subf %add3A_231, %sub3A_238 : vector<1000x128xf32>
    %exp3A_240 = math.exp %sub3A_239 : vector<1000x128xf32>
    %reduce_sum3A_241 = arith.constant dense<0.000000e+00> : vector<1000xf32>
    %reduce_sum3A_242 = vector.multi_reduction <add>, %exp3A_240, %reduce_sum3A_241 [1] : vector<1000x128xf32> to vector<1000xf32>
    %broadcast_in_dim3A_243 = vector.shape_cast %reduce_sum3A_242 : vector<1000xf32> to vector<1000x1xf32>
    %div3A_244 = vector.broadcast %broadcast_in_dim3A_243 : vector<1000x1xf32> to vector<1000x128xf32>
    %div3A_245 = arith.divf %exp3A_240, %div3A_244 : vector<1000x128xf32>
    %add3A_246 = arith.addf %div3A_12, %div3A_245 : vector<1000x128xf32>
    %reduce_sum3A_247 = arith.constant dense<0.000000e+00> : vector<128xf32>
    %reduce_sum3A_248 = vector.multi_reduction <add>, %add3A_246, %reduce_sum3A_247 [0] : vector<1000x128xf32> to vector<128xf32>
    %broadcast_in_dim3A_249 = vector.shape_cast %reduce_sum3A_248 : vector<128xf32> to vector<1x128xf32>
    %eq3A_250 = arith.constant 0 : i32
    %eq3A_251 = arith.cmpi eq, %arg0, %eq3A_250 : i32
    %convert_element_type3A = arith.extui %eq3A_251 : i1 to i32
    %cond3A = arith.constant 0 : i32
    %cond3A_252 = arith.cmpi ne, %convert_element_type3A, %cond3A : i32
    scf.if %cond3A_252 {
      %swap3A = arith.constant 0 : index
      %swap3A_257 = arith.constant 0 : index
      %swap3A_258 = vector.load %arg10[%swap3A, %swap3A_257] : memref<1x128xf32, #tpu.memory_space<vmem>>, vector<1x128xf32>
      tpu.vector_store %arg10[%swap3A, %swap3A_257], %broadcast_in_dim3A_249 {strides = array<i32>} : memref<1x128xf32, #tpu.memory_space<vmem>>, vector<1x128xf32>,
    } else {
    }
    %gt3A = arith.constant 0 : i32
    %gt3A_253 = arith.cmpi sgt, %arg0, %gt3A : i32
    %convert_element_type3A_254 = arith.extui %gt3A_253 : i1 to i32
    %cond3A_255 = arith.constant 0 : i32
    %cond3A_256 = arith.cmpi ne, %convert_element_type3A_254, %cond3A_255 : i32
    scf.if %cond3A_256 {
      %get3A_257 = arith.constant 0 : index
      %get3A_258 = arith.constant 0 : index
      %get3A_259 = vector.load %arg10[%get3A_257, %get3A_258] : memref<1x128xf32, #tpu.memory_space<vmem>>, vector<1x128xf32>
      %add3A_260 = arith.addf %get3A_259, %broadcast_in_dim3A_249 : vector<1x128xf32>
      %swap3A = arith.constant 0 : index
      %swap3A_261 = arith.constant 0 : index
      %swap3A_262 = vector.load %arg10[%swap3A, %swap3A_261] : memref<1x128xf32, #tpu.memory_space<vmem>>, vector<1x128xf32>
      tpu.vector_store %arg10[%swap3A, %swap3A_261], %add3A_260 {strides = array<i32>} : memref<1x128xf32, #tpu.memory_space<vmem>>, vector<1x128xf32>,
    } else {
    }
    return
  }
  func.func @transform_0(%arg0: i32) -> (i32, i32) {
    %c0_i32 = arith.constant 0 : i32
    %c0_i32_0 = arith.constant 0 : i32
    return %arg0, %c0_i32 : i32, i32
  }
  func.func @transform_1(%arg0: i32) -> (i32, i32) {
    %c0_i32 = arith.constant 0 : i32
    %c0_i32_0 = arith.constant 0 : i32
    return %arg0, %c0_i32 : i32, i32
  }
  func.func @transform_2(%arg0: i32) -> (i32, i32) {
    %c0_i32 = arith.constant 0 : i32
    %c0_i32_0 = arith.constant 0 : i32
    return %arg0, %c0_i32 : i32, i32
  }
  func.func @transform_3(%arg0: i32) -> (i32, i32) {
    %c0_i32 = arith.constant 0 : i32
    %c0_i32_0 = arith.constant 0 : i32
    %c0_i32_1 = arith.constant 0 : i32
    return %c0_i32, %c0_i32_0 : i32, i32
  }
  func.func @transform_4(%arg0: i32) -> (i32, i32, i32) {
    %c0_i32 = arith.constant 0 : i32
    %c0_i32_0 = arith.constant 0 : i32
    %c0_i32_1 = arith.constant 0 : i32
    %c0_i32_2 = arith.constant 0 : i32
    return %c0_i32, %c0_i32_0, %c0_i32_1 : i32, i32, i32
  }
  func.func @transform_5(%arg0: i32) -> (i32, i32, i32) {
    %c0_i32 = arith.constant 0 : i32
    %c0_i32_0 = arith.constant 0 : i32
    %c0_i32_1 = arith.constant 0 : i32
    %c0_i32_2 = arith.constant 0 : i32
    return %c0_i32, %c0_i32_0, %c0_i32_1 : i32, i32, i32
  }
  func.func @transform_6(%arg0: i32) -> (i32, i32) {
    %c0_i32 = arith.constant 0 : i32
    %c0_i32_0 = arith.constant 0 : i32
    %c0_i32_1 = arith.constant 0 : i32
    return %c0_i32, %c0_i32_0 : i32, i32
  }
  func.func @transform_7(%arg0: i32) -> (i32, i32) {
    %c0_i32 = arith.constant 0 : i32
    %c0_i32_0 = arith.constant 0 : i32
    %c0_i32_1 = arith.constant 0 : i32
    return %c0_i32, %c0_i32_0 : i32, i32
  }
  func.func @transform_8(%arg0: i32) -> (i32, i32) {
    %c0_i32 = arith.constant 0 : i32
    %c0_i32_0 = arith.constant 0 : i32
    %c0_i32_1 = arith.constant 0 : i32
    return %c0_i32, %c0_i32_0 : i32, i32
  }
  func.func @transform_9(%arg0: i32) -> (i32, i32) {
    %c0_i32 = arith.constant 0 : i32
    %c0_i32_0 = arith.constant 0 : i32
    %c0_i32_1 = arith.constant 0 : i32
    return %c0_i32, %c0_i32_0 : i32, i32
  }
}

</mosaic_0001>

<sc_bundles>
// kernel: kernel.4.cloned.1.call-start
scs
__scs_entry_jumppad:
0x0: {  	(pc) =	sbr.rel $0x88, $3  }
0x1: {  	(tag) =	ssettag $0x0;
	lr =	simm.s32 $0x1  }
0x2: {  	[smem:$0x3F99] =	sst lr;
	_ =	strace $0xD0000000  }
0x3: {  	_ = 	snop  }
0x4: {  	_ = 	snop  }
0x5: {  	_ = 	snop  }
0x6: {  	_ = 	snop  }
0x7: {  	_ = 	snop  }
__scs_overlays_trampoline_lowered:
0x8: {  	[smem:$0x3FA8] =	sst s0  }
0x9: {  	[smem:$0x3FA9] =	sst s1  }
0xa: {  	[smem:$0x3FAA] =	sst s2  }
0xb: {  	[smem:$0x3FAB] =	sst s3  }
0xc: {  	[smem:$0x3FAC] =	sst s4  }
0xd: {  	[smem:$0x3FAD] =	sst s5  }
0xe: {  	[smem:$0x3FAE] =	sst s6  }
0xf: {  	[smem:$0x3FAF] =	sst s7  }
0x10: {  	[smem:$0x3FB0] =	sst s8  }
0x11: {  	[smem:$0x3FB1] =	sst s9;
	s0 =	simm.s32 @!p0 $0x0  }
0x12: {  	s1 =	sld [smem:$0x3F97];
	s0 =	simm.s32 @p0 $0x1  }
0x13: {  	[smem:$0x3FB2] =	sst s0;
	s0 =	simm.s32 @!p1 $0x0  }
0x14: {  	s2 =	sld [smem:$0x3F96];
	s0 =	simm.s32 @p1 $0x1  }
0x15: {  	[smem:$0x3FB3] =	sst s0;
	s0 =	simm.s32 @!p2 $0x0  }
0x16: {  	s3 =	sld [smem:$0x3FDB];
	s0 =	simm.s32 @p2 $0x1  }
0x17: {  	s4 =	simm.s32 $0x1BF5;
	[smem:$0x3FB5] =	sst s0  }
0x18: {  	s0 =	sld [smem:$0x3F98];
	_ =	swait.ge [sflag:s4], $0x0  }
0x19: {  	s7 =	sld [smem:$0x3F99]  }
0x1a: {  	s8 =	sadd.s32 $0xFFFFE003, lr  }
0x1b: {  	s9 =	sadd.s32 $0xFFFFFEF7, lr;
	s5 =	simm.s32 $0xFFFFFFFF;
	p2 =	slt.u32 s8, $0xFFFFF086  }
0x1c: {  	p1 =	slt.u32 s9, $0xF7A;
	s5 =	simm.s32 @!p2 $0x0  }
0x1d: {  	s5 =	simm.s32 @p1 $0x1;
	p0 =	seq.s32 s7, s2  }
0x1e: {  	s7 =	smul.u32 @!p0 $0xF7A, s2;
	p2 =	seq.s32 @!p0 s5, $0x0  }
0x1f: {  	s9 =	smul.u32 $0xF7A, s1;
	s8 =	simm.s32 @!p0 $0x1BF5;
	p2 =	por !p2, p0  }
0x20: {  	[sflag:s8] =	ssyncset.s32 @!p0 $0xFFFFF086;
	s6 =	sadd.s32 @!p0 s3, s7;
	s7 =	simm.s32 @!p0 $0x108  }
0x21: {  	s3 =	sadd.s32 s3, s9;
	s6 =	sadd.s32 @!p0 $0x88, s6;
	s7 =	simm.s32 @p2 $0x1082  }
0x22: {  	[simem:s7], [sflag:s8] =	dma.local @!p0 [hbm:s6], $0xF7A  }
0x23: {  	s9 =	sor.u32 $0xD0000000, s2;
	s6 =	simm.s32 $0x108;
	_ =	swait.ge @!p0 [sflag:s8], $0x0  }
0x24: {  	s3 =	sadd.s32 $0x88, s3;
	s6 =	simm.s32 @!p1 $0x1082;
	[sflag:s4] =	ssyncset.s32 $0xFFFFF086  }
0x25: {  	[simem:s6], [sflag:s4] =	dma.local [hbm:s3], $0xF7A  }
0x26: {  	[smem:$0x3F99] =	sst s1;
	(tag) =	ssettag s2;
	_ =	strace s9  }
0x27: {  	s1 =	sld [smem:$0x3FA9]  }
0x28: {  	s2 =	sld [smem:$0x3FAA]  }
0x29: {  	s4 =	sld [smem:$0x3FAC]  }
0x2a: {  	p0 =	seq.s32 s5, $0x0;
	s5 =	sld [smem:$0x3FAD]  }
0x2b: {  	s6 =	sld [smem:$0x3FAE]  }
0x2c: {  	s7 =	sld [smem:$0x3FAF]  }
0x2d: {  	s3 =	simm.s32 $0x108;
	s8 =	sld [smem:$0x3FB0]  }
0x2e: {  	s3 =	simm.s32 @!p0 $0x1082;
	s9 =	sld [smem:$0x3FB1]  }
0x2f: {  	lr =	sadd.s32 s0, s3;
	s0 =	sld [smem:$0x3FA8]  }
0x30: {  	s3 =	sld [smem:$0x3FAB]  }
0x31: {  	[smem:$0x3FB4] =	sst s10  }
0x32: {  	s10 =	sld [smem:$0x3FB2];
	_ =	sdelay $0x3  }
0x33: {  	p0 =	seq.s32 s10, $0x1;
	s10 =	sld [smem:$0x3FB4];
	_ =	sdelay $0x3  }
0x34: {  	[smem:$0x3FB4] =	sst s10  }
0x35: {  	s10 =	sld [smem:$0x3FB3];
	_ =	sdelay $0x3  }
0x36: {  	p1 =	seq.s32 s10, $0x1;
	s10 =	sld [smem:$0x3FB4];
	_ =	sdelay $0x3  }
0x37: {  	[smem:$0x3FB4] =	sst s10  }
0x38: {  	s10 =	sld [smem:$0x3FB5]  }
0x39: {  	_ = 	snop;
	(pc) =	sbr.ind lr, $3  }
0x3a: {  	_ = 	snop  }
0x3b: {  	_ = 	snop  }
0x3c: {  	p2 =	seq.s32 s10, $0x1;
	s10 =	sld [smem:$0x3FB4]  }
0x3d: {  	_ =	shalt  }
0x3e: {  	_ =	shalt  }
0x3f: {  	_ =	shalt  }
0x40: {  	_ =	shalt  }
0x41: {  	_ =	shalt  }
0x42: {  	_ =	shalt  }
0x43: {  	_ =	shalt  }
0x44: {  	_ =	shalt  }
0x45: {  	_ =	shalt  }
0x46: {  	_ =	shalt  }
0x47: {  	_ =	shalt  }
0x48: {  	_ =	shalt  }
0x49: {  	_ =	shalt  }
0x4a: {  	_ =	shalt  }
0x4b: {  	_ =	shalt  }
0x4c: {  	_ =	shalt  }
0x4d: {  	_ =	shalt  }
0x4e: {  	_ =	shalt  }
0x4f: {  	_ =	shalt  }
0x50: {  	_ =	shalt  }
0x51: {  	_ =	shalt  }
0x52: {  	_ =	shalt  }
0x53: {  	_ =	shalt  }
0x54: {  	_ =	shalt  }
0x55: {  	_ =	shalt  }
0x56: {  	_ =	shalt  }
0x57: {  	_ =	shalt  }
0x58: {  	_ =	shalt  }
0x59: {  	_ =	shalt  }
0x5a: {  	_ =	shalt  }
0x5b: {  	_ =	shalt  }
0x5c: {  	_ =	shalt  }
0x5d: {  	_ =	shalt  }
0x5e: {  	_ =	shalt  }
0x5f: {  	_ =	shalt  }
0x60: {  	_ =	shalt  }
0x61: {  	_ =	shalt  }
0x62: {  	_ =	shalt  }
0x63: {  	_ =	shalt  }
0x64: {  	_ =	shalt  }
0x65: {  	_ =	shalt  }
0x66: {  	_ =	shalt  }
0x67: {  	_ =	shalt  }
0x68: {  	_ =	shalt  }
0x69: {  	_ =	shalt  }
0x6a: {  	_ =	shalt  }
0x6b: {  	_ =	shalt  }
0x6c: {  	_ =	shalt  }
0x6d: {  	_ =	shalt  }
0x6e: {  	_ =	shalt  }
0x6f: {  	_ =	shalt  }
0x70: {  	_ =	shalt  }
0x71: {  	_ =	shalt  }
0x72: {  	_ =	shalt  }
0x73: {  	_ =	shalt  }
0x74: {  	_ =	shalt  }
0x75: {  	_ =	shalt  }
0x76: {  	_ =	shalt  }
0x77: {  	_ =	shalt  }
0x78: {  	_ =	shalt  }
0x79: {  	_ =	shalt  }
0x7a: {  	_ =	shalt  }
0x7b: {  	_ =	shalt  }
0x7c: {  	_ =	shalt  }
0x7d: {  	_ =	shalt  }
0x7e: {  	_ =	shalt  }
0x7f: {  	_ =	shalt  }
0x80: {  	_ =	shalt  }
0x81: {  	_ =	shalt  }
0x82: {  	_ =	shalt  }
0x83: {  	_ =	shalt  }
0x84: {  	_ =	shalt  }
0x85: {  	_ =	shalt  }
0x86: {  	_ =	shalt  }
0x87: {  	_ =	shalt  }
.Lfunc_end0:
.L_simem_size_0:
called_computation_lowered:
.L_overlay_start_0:
0x88: {  	s2 =	sld [smem:$0x3FD9]  }
0x89: {  	s3 =	sld [smem:$0x3FFE];
	_ =	sdelay $0x1  }
0x8a: {  	s1 =	srdreg.scid  }
0x8b: {  	s0 =	sand.u32 $0x1, s1  }
0x8c: {  	s17 =	sshll.u32 s0, $0xA;
	s2 =	sadd.s32 s3, s2  }
0x8d: {  	s2 =	sadd.s32 s2, s17  }
0x8e: {  	[smem:$0x3FC0] =	sst s2  }
0x8f: {  	_ = 	snop  }
0x90: {  	s2 =	sld [smem:$0x3FC9];
	(tm) =	ssettm $0x1  }
0x91: {  	s18 =	sld [smem:$0x3FFB];
	_ =	sdelay $0x3  }
0x92: {  	_ =	strace s18  }
0x93: {  	s3 =	sld [smem:$0x3FFC];
	_ =	sdelay $0x3  }
0x94: {  	_ =	strace s3  }
0x95: {  	s3 =	sld [smem:$0x3FFD];
	_ =	sdelay $0x3  }
0x96: {  	_ =	strace s3  }
0x97: {  	_ =	strace $0x8FFFFFFF  }
0x98: {  	s19 =	sld [smem:$0x3FDB];
	_ =	sdelay $0x1  }
0x99: {  	s4 =	simm.s32 $_scs_section_size  }
0x9a: {  	s5 =	simm.s32 $_size__tile_overlayer_lowered;
	s6 =	simm.s32 $_tile_overlayer_lowered  }
0x9b: {  	s22 =	simm.s32 $0x1BFF;
	s21 =	sshll.u32 s6, $0x1;
	s3 =	sadd.s32 s4, s19  }
0x9c: {  	s7 =	simm.s32 $0x0;
	s20 =	sshll.u32 s5, $0x1;
	s5 =	sadd.s32 s21, s3  }
0x9d: {  	[timem:s7], [sflag:s22] =	dma.local [hbm:s5], s20  }
0x9e: {  	_ =	swait.ge [sflag:s22], s20  }
0x9f: {  	s4 =	ssub.s32 $0x0, s20;
	[sflag:s22] =	ssyncset.done $0x0  }
0xa0: {  	[sflag:s22] =	ssyncadd.s32 s4;
	_ =	sdelay $0x1  }
0xa1: {  	s23 =	simm.s32 $0x1B8B  }
0xa2: {  	_ =	swait.ge [sflag:s23], $0x1  }
0xa3: {  	[sflag:s23] =	ssyncset.done $0x0  }
0xa4: {  	s25 =	simm.s32 $0x1B8E;
	s24 =	sld [smem:$0x3FFE];
	[sflag:s23] =	ssyncadd.s32 $0xFFFFFFFF  }
0xa5: {  	s26 =	simm.s32 $execute0_lowered;
	[smem:$0x3FD2] =	sst s25  }
0xa6: {  	s5 =	sshll.u32 s26, $0x1;
	_ =	strace $0x80000046;
	[dreg:$0x1] =	wrdreg $0xFFFFFFFF  }
0xa7: {  	s28 =	simm.s32 $_size_execute0_lowered;
	s3 =	sadd.s32 s3, s5;
	[dreg:$0x0] =	wrdreg $0x0  }
0xa8: {  	s5 =	sshll.u32 s28, $0x1;
	[dreg:$0x2] =	wrdreg s3  }
0xa9: {  	[dreg:$0x3] =	wrdreg s5  }
0xaa: {  	[dreg:$0x4] =	wrdreg $0xC0  }
0xab: {  	_ =	task [dreg:s7], $0x5FFFF  }
0xac: {  	[dreg:$0x1] =	wrdreg $0xFFFFFFFF  }
0xad: {  	[dreg:$0x0] =	wrdreg $0x60  }
0xae: {  	[dreg:$0x2] =	wrdreg s2  }
0xaf: {  	[dreg:$0x3] =	wrdreg s24  }
0xb0: {  	[dreg:$0x4] =	wrdreg $0x9  }
0xb1: {  	_ =	task.clear_ibuf [dreg:s7], $0x5FFFF;
	_ =	strace $0x90000046  }
0xb2: {  	s29 =	simm.s32 $0x9;
	_ =	strace $0x80000048  }
0xb3: {  	_ =	swait.ge [sflag:s29], $0x1  }
0xb4: {  	[sflag:s29] =	ssyncadd.s32 $0xFFFFFFFF  }
0xb5: {  	_ =	strace $0x90000048  }
0xb6: {  	_ =	sfence  }
0xb7: {  	s30 =	sld [smem:$0x0];
	_ =	sdelay $0x2  }
0xb8: {  	s31 =	sshll.u32 s1, $0xD;
	s1 =	sshrl.u32 s1, $0x2  }
0xb9: {  	s3 =	sand.u32 $0x4000, s31;
	s1 =	sadd.s32 s1, s30  }
0xba: {  	s0 =	sor.u32 s3, s0;
	s1 =	sshll.u32 s1, $0x11  }
0xbb: {  	s0 =	sor.u32 s1, s0  }
0xbc: {  	s0 =	sadd.s32 $0x8F2B, s0  }
0xbd: {  	[sflag:s0] =	ssyncadd.remote.s32 $0x1  }
0xbe: {  	_ =	sfence.sel $0xFFFF  }
0xbf: {  	[dreg:$0x0] =	wrdreg $0xFFFFFFFF;
	(pc) =	sbr.abs _section_cstart, $3  }
0xc0: {  	[dreg:$0x1] =	wrdreg $0xFFFFFFFF  }
0xc1: {  	_ =	task.clear_ibuf [dreg:s7], $0x2FFFF;
	_ =	strace $0x9FFFFFFF  }
0xc2: {  	(tm) =	ssettm $0x7FFFFFFF  }
0xc3: {  	_ =	shalt  }
tec
execute0_lowered:
.L_overlay_start_1:
0x0: {  	(tag) =	ssettag $0x1  }
0x1: {  	s1 =	rddreg [dreg:$0x0]  }
0x2: {  	s0 =	rddreg [dreg:$0x1];
	s2 =	srdreg.scid;
	s8 =	simm.s32 $0x0  }
0x3: {  	s4 =	stileid.u32;
	s12 =	simm.s32 $0x6A00;
	s13 =	simm.s32 $0x2  }
0x4: {  	s14 =	simm.s32 $0x10E00;
	s16 =	simm.s32 $0x1000;
	s17 =	simm.s32 $0x1880  }
0x5: {  	s18 =	simm.s32 $0x2100;
	s19 =	simm.s32 $0x1;
	s20 =	simm.s32 $0x10  }
0x6: {  	s28 =	simm.s32 $0x3A00;
	s29 =	simm.s32 $0x29A0;
	s30 =	simm.s32 $0x5A00  }
0x7: {  	s31 =	simm.s32 $0x4200;
	s2 =	sand.u32 $0x1, s2;
	[smem:$0x7FF] =	sst s8  }
0x8: {  	s21 =	sadd.s32 $0xB200, s0;
	s5 =	sadd.s32 $0x1400, s0;
	s6 =	sadd.s32 $0x4F7000, s0  }
0x9: {  	s22 =	sadd.s32 $0x16600, s0;
	_ =	strace $0x80000047;
	[dreg:$0x3] =	wrdreg s21  }
0xa: {  	s23 =	sadd.s32 $0x15000, s0;
	s3 =	sshll.u32 s2, $0x4;
	[dreg:$0x4] =	wrdreg s22  }
0xb: {  	s2 =	ssub.s32 $0x2, s2;
	[dreg:$0x5] =	wrdreg s23;
	s3 =	sor.u32 s4, s3  }
0xc: {  	s21 =	simm.s32 $0x2A00;
	s22 =	simm.s32 $0x2980;
	s7 =	smul.u32 $0x1400, s3  }
0xd: {  	s23 =	simm.s32 $0x4A00;
	s24 =	sshrl.u32 s2, $0x1;
	s3 =	smul.u32 $0xFFFFFEC0, s3  }
.Ltmp0:
0xe: {  	s4 =	simm.s32 $0x0;
	s2 =	ssub.s32 s2, s24;
	(pc) =	sbr.rel .LBB2_1-.Ltmp0, $4  }
0xf: {  	s24 =	simm.s32 $0x3200;
	s26 =	smax.u32 s2, $0x1;
	s0 =	sadd.s32 s7, s0  }
0x10: {  	v1 =	vlaneseq.u32;
	v2 =	vimm.s32 $0x0;
	s2 =	simm.s32 $0x6200;
	[dreg:$0x8] =	wrdreg s26;
	s25 =	sadd.s32 $0x17C00, s0  }
0x11: {  	v4 =	vimm.s32 $0x140;
	v7 =	vimm.f32 $1.000000000e+00;
	v3 =	vor.u32 $0x870, v1;
	s26 =	simm.s32 $0x5200;
	s0 =	sadd.s32 $0x3FC00, s0;
	[dreg:$0x6] =	wrdreg s25  }
0x12: {  	v5 =	vmul.u32 $0x80, v1;
	v6 =	vor.u32 $0x10, v1;
	v0 =	vmov s3;
	[dreg:$0x7] =	wrdreg s0;
	s25 =	simm.s32 $0x2990;
	s0 =	simm.s32 $0x29B0  }
.LBB2_11:
0x13: {  	s8 =	simm.s32 $0x0;
	s3 =	rddreg [dreg:$0x6]  }
0x14: {  	[hbm4b:s3+s8] =	stream.linear.scatter [tilespmem:s12], [sflag:$0x2], $0xA000, $0x38;
	[tilespmem:$0x1B200] =	vst v63  }
0x15: {  	_ =	swait.ge [sflag:s13], $0xA000  }
0x16: {  	[sflag:s13] =	ssyncset.done $0x0  }
0x17: {  	s11 =	rddreg [dreg:$0x7];
	[sflag:s13] =	ssyncadd.s32 $0xFFFF6000  }
0x18: {  	[hbm4b:s11+s8] =	stream.linear.scatter [tilespmem:s14], [sflag:$0x2], $0xA000, $0x38;
	[tilespmem:$0x1B200] =	vst v63  }
0x19: {  	_ =	swait.ge [sflag:s13], $0xA000  }
0x1a: {  	s4 =	rddreg [dreg:$0x9]  }
0x1b: {  	s15 =	rddreg [dreg:$0x8];
	s4 =	sadd.s32 $0x1, s4  }
0x1c: {  	p0 =	sne.s32 s4, s15  }
.Ltmp1:
0x1d: {  	_ = 	snop;
	(pc) =	sbr.rel @!p0 .LBB2_12-.Ltmp1, $3  }
0x1e: {  	_ =	sdelay $0x1  }
0x1f: {  	[sflag:s13] =	ssyncset.done $0x0  }
0x20: {  	[sflag:s13] =	ssyncadd.s32 $0xFFFF6000  }
.LBB2_1:
0x21: {  	[dreg:$0x9] =	wrdreg s4  }
0x22: {  	s3 =	rddreg [dreg:$0x4]  }
0x23: {  	[tilespmem:s12], [sflag:$0x2] =	stream.linear.gather [hbm4b:s3+s8], $0xA080, $0x38;
	[tilespmem:$0x1B200] =	vst v63  }
0x24: {  	_ =	swait.ge [sflag:s13], $0xA080  }
0x25: {  	[sflag:s13] =	ssyncset.done $0x0  }
.Ltmp2:
0x26: {  	s15 =	rddreg [dreg:$0x5];
	[sflag:s13] =	ssyncadd.s32 $0xFFFF5F80;
	(pc) =	sbr.rel .LBB2_2-.Ltmp2, $4  }
0x27: {  	[tilespmem:s14], [sflag:$0x2] =	stream.linear.gather [hbm4b:s15+s8], $0xA080, $0x38;
	[tilespmem:$0x1B200] =	vst v63  }
0x28: {  	_ =	swait.ge [sflag:s13], $0xA080  }
0x29: {  	[sflag:s13] =	ssyncset.done $0x0  }
0x2a: {  	s9 =	simm.s32 $0x0;
	s8 =	simm.s32 $0x0;
	[sflag:s13] =	ssyncadd.s32 $0xFFFF5F80  }
.LBB2_10:
0x2b: {  	s9 =	sadd.s32 $0x1, s9  }
0x2c: {  	p0 =	sne.s32 s9, $0xA0  }
.Ltmp3:
0x2d: {  	_ = 	snop;
	(pc) =	sbr.rel @!p0 .LBB2_11-.Ltmp3, $2  }
0x2e: {  	_ =	sdelay $0x2  }
0x2f: {  	s8 =	sadd.s32 $0x7D0, s8  }
.LBB2_2:
0x30: {  	s3 =	smul.u32 $0x7D0, s9;
	_ =	sdelay $0x1  }
0x31: {  	s7 =	sshrl.u32 s3, $0x3  }
0x32: {  	s3 =	simm.s32 $0x0;
	s10 =	sadd.s32 s5, s7  }
0x33: {  	[tilespmem:s3], [sflag:$0x2] =	stream.linear.gather [hbm4b:s10+s3], $0x7D0, $0x38;
	[tilespmem:$0x1B200] =	vst v63  }
0x34: {  	_ =	swait.ge [sflag:s13], $0x7D0  }
0x35: {  	[sflag:s13] =	ssyncset.done $0x0;
	s4 =	rddreg [dreg:$0x3]  }
0x36: {  	s11 =	simm.s32 $0x800;
	[sflag:s13] =	ssyncadd.s32 $0xFFFFF830;
	s7 =	sadd.s32 s4, s7  }
0x37: {  	[tilespmem:s11], [sflag:$0x2] =	stream.linear.gather [hbm4b:s7+s3], $0x7D0, $0x38;
	[tilespmem:$0x1B200] =	vst v63  }
0x38: {  	_ =	swait.ge [sflag:s13], $0x7D0  }
0x39: {  	[sflag:s13] =	ssyncset.done $0x0  }
0x3a: {  	s15 =	simm.s32 $0x0;
	[sflag:s13] =	ssyncadd.s32 $0xFFFFF830  }
0x3b: {  	v8 =	vld [tilespmem:s15+$0x0];
	_ =	sdelay $0x4  }
0x3c: {  	v8 =	vadd.s32 v0, v8  }
0x3d: {  	vm0 =	vlt.u32 v8, $0x140  }
0x3e: {  	v9 =	vsel vm0, $0x1, v2;
	v10 =	vmpcnt.ones.xlane vm0  }
0x3f: {  	(xrf0) =	vadd.scan.msk.s32 $0xffff, v9  }
0x40: {  	(v2sf) =	vpush v10, $0x0;
	_ =	sdelay $0x1  }
0x41: {  	v9 =	vmov s3  }
0x42: {  	v9 =	vadd.s32 $0xFFFFFFFF, v9  }
0x43: {  	v9 =	vbroadcast v9, $0x0  }
0x44: {  	v10, _, _ =	vpop (xrf0)  }
0x45: {  	v9 =	vadd.s32 v9, v10  }
0x46: {  	v10 =	vld [tilespmem:s15+$0x800];
	v9 =	vsel vm0, v9, v3;
	_ =	sdelay $0x4  }
0x47: {  	[tilespmem:v9+s16+$0x0] =	vst.idx.msk $0xffff, v10;
	v10 =	vor.u32 s8, v1  }
0x48: {  	v8 =	vmin.u32 v8, $0x140;
	[tilespmem:v9+s17+$0x0] =	vst.idx.msk $0xffff, v10  }
0x49: {  	s10 =	simm.s32 $0x10;
	[tilespmem:v9+s18+$0x0] =	vst.idx.msk $0xffff, v8  }
0x4a: {  	s7 =	smov.u32 s8;
	s15 =	simm.s32 $0x80;
	v8 =	vld [tilespmem:s10+$0x0];
	s11 =	spop (v2sf)  }
.LBB2_3:
0x4b: {  	s3 =	sadd.s32 s3, s11  }
0x4c: {  	s7 =	sadd.s32 $0x10, s7;
	s11 =	smov.u32 s15;
	s4 =	sadd.s32 $0x40, s15  }
0x4d: {  	p0 =	sne.s32 s15, $0x1F00;
	v9 =	vmov s3  }
0x4e: {  	v9 =	vadd.s32 $0xFFFFFFFF, v9;
	_ =	sdelay $0x1  }
0x4f: {  	v8 =	vadd.s32 v0, v8  }
0x50: {  	vm0 =	vlt.u32 v8, $0x140  }
0x51: {  	v10 =	vsel vm0, $0x1, v2;
	v11 =	vmpcnt.ones.xlane vm0  }
0x52: {  	(xrf0) =	vadd.scan.msk.s32 $0xffff, v10  }
0x53: {  	(v2sf) =	vpush v11, $0x0;
	_ =	sdelay $0x3  }
0x54: {  	v9 =	vbroadcast v9, $0x0  }
0x55: {  	v10, _, _ =	vpop (xrf0)  }
0x56: {  	v9 =	vadd.s32 v9, v10  }
0x57: {  	v10 =	vld [tilespmem:s10+$0x800];
	v9 =	vsel vm0, v9, v3;
	_ =	sdelay $0x3  }
.Ltmp4:
0x58: {  	(pc) =	sbr.rel @p0 .LBB2_3-.Ltmp4, $4  }
0x59: {  	[tilespmem:v9+s16+$0x0] =	vst.idx.msk $0xffff, v10;
	v10 =	vor.u32 s7, v1  }
0x5a: {  	v8 =	vmin.u32 v8, $0x140;
	[tilespmem:v9+s17+$0x0] =	vst.idx.msk $0xffff, v10  }
0x5b: {  	s10 =	sshra.s32 s11, $0x2;
	[tilespmem:v9+s18+$0x0] =	vst.idx.msk $0xffff, v8  }
0x5c: {  	s15 =	smov.u32 s4;
	v8 =	vld [tilespmem:s10+$0x0];
	s11 =	spop (v2sf)  }
0x5d: {  	_ =	sdelay $0x3  }
0x5e: {  	v8 =	vadd.s32 v0, v8  }
0x5f: {  	vm0 =	vlt.u32 v8, $0x140  }
0x60: {  	v9 =	vmpcnt.ones.xlane vm0;
	_ =	sdelay $0x1  }
0x61: {  	(v2sf) =	vpush v9, $0x0  }
0x62: {  	v10 =	vsel vm0, $0x1, v2  }
0x63: {  	(xrf0) =	vadd.scan.msk.s32 $0xffff, v10;
	_ =	sdelay $0x1  }
0x64: {  	s3 =	sadd.s32 s3, s11  }
0x65: {  	v61 =	vmov s3  }
0x66: {  	v9 =	vadd.s32 $0xFFFFFFFF, v61  }
0x67: {  	v9 =	vbroadcast v9, $0x0  }
0x68: {  	v10, _, _ =	vpop (xrf0)  }
0x69: {  	v9 =	vadd.s32 v9, v10  }
0x6a: {  	v62 =	vld [tilespmem:s10+$0x800];
	v9 =	vsel vm0, v9, v3;
	_ =	sdelay $0x3  }
0x6b: {  	s4 =	sadd.s32 $0x10, s7  }
0x6c: {  	v63 =	vor.u32 s4, v1;
	[tilespmem:v9+s16+$0x0] =	vst.idx.msk $0xffff, v62;
	s7 =	spop (v2sf)  }
0x6d: {  	v8 =	vmin.u32 v8, $0x140;
	[tilespmem:v9+s17+$0x0] =	vst.idx.msk $0xffff, v63;
	s3 =	sadd.s32 s3, s7  }
0x6e: {  	[tilespmem:v9+s18+$0x0] =	vst.idx.msk $0xffff, v8;
	s4 =	sadd.s32 $0x3F, s3  }
0x6f: {  	[tilespmem:s3+$0x1000] =	vst v2;
	s10 =	sand.u32 $0x3F, s4  }
0x70: {  	[tilespmem:s3+$0x1880] =	vst v2;
	s11 =	sshra.s32 s4, $0x1F;
	p0 =	slt.s32 s4, $0x1;
	p1 =	sne.s32 s10, $0x0  }
0x71: {  	[tilespmem:s3+$0x2100] =	vst v4;
	s15 =	sshrl.u32 s11, $0x1A;
	p0 =	por !p0, !p1  }
0x72: {  	s7 =	simm.s32 $0x1;
	[tilespmem:s3+$0x1010] =	vst v2;
	s4 =	sadd.s32 s15, s4;
	p0 =	por !p0, !p0  }
0x73: {  	[tilespmem:s3+$0x1890] =	vst v2;
	s4 =	sshra.s32 s4, $0x6;
	s7 =	simm.s32 @!p0 $0x0  }
0x74: {  	[tilespmem:s3+$0x2110] =	vst v4;
	s10 =	ssub.s32 s4, s7  }
0x75: {  	[tilespmem:s3+$0x1020] =	vst v2;
	p0 =	slt.s32 s10, $0x1  }
.Ltmp5:
0x76: {  	[tilespmem:s3+$0x18A0] =	vst v2;
	(pc) =	sbr.rel @p0 .LBB2_10-.Ltmp5, $4  }
0x77: {  	[tilespmem:s3+$0x2120] =	vst v4  }
0x78: {  	[tilespmem:s3+$0x1030] =	vst v2  }
0x79: {  	[tilespmem:s3+$0x18B0] =	vst v2  }
0x7a: {  	[tilespmem:s3+$0x2130] =	vst v4;
	s11 =	simm.s32 $0x0  }
.LBB2_5:
0x7b: {  	s3 =	sshll.u32 s11, $0x6  }
0x7c: {  	v8 =	vld [tilespmem:s3+$0x1880];
	_ =	sdelay $0x4  }
0x7d: {  	v8 =	vshra.s32 v8, $0x3  }
0x7e: {  	[tilespmem:$0x2980] =	vst v8  }
0x7f: {  	v8 =	vld [tilespmem:s3+$0x1890];
	_ =	sdelay $0x4  }
0x80: {  	v8 =	vshra.s32 v8, $0x3  }
0x81: {  	[tilespmem:$0x2990] =	vst v8  }
0x82: {  	v8 =	vld [tilespmem:s3+$0x18A0];
	_ =	sdelay $0x4  }
0x83: {  	v8 =	vshra.s32 v8, $0x3  }
0x84: {  	[tilespmem:$0x29A0] =	vst v8  }
0x85: {  	v8 =	vld [tilespmem:s3+$0x18B0];
	_ =	sdelay $0x4  }
0x86: {  	v8 =	vshra.s32 v8, $0x3  }
0x87: {  	s4 =	sadd.s32 $0x1000, s3;
	[tilespmem:$0x29B0] =	vst v8  }
0x88: {  	[tilespmem:s21], [sflag:$0x1] =	stream.indirect.gather [hbm4b:s1+s20], $0x80, s4, s20, $0xb8;
	[tilespmem:$0x1B200] =	vst v63  }
0x89: {  	_ = 	snop  }
0x8a: {  	[tilespmem:s23], [sflag:$0x1] =	stream.indirect.gather [hbm4b:s6+s20], $0x80, s22, s20, $0xb8;
	[tilespmem:$0x1B200] =	vst v63  }
0x8b: {  	s15 =	sadd.s32 $0x1010, s3  }
0x8c: {  	[tilespmem:s24], [sflag:$0x1] =	stream.indirect.gather [hbm4b:s1+s20], $0x80, s15, s20, $0xb8;
	[tilespmem:$0x1B200] =	vst v63  }
0x8d: {  	_ = 	snop  }
0x8e: {  	[tilespmem:s26], [sflag:$0x1] =	stream.indirect.gather [hbm4b:s6+s20], $0x80, s25, s20, $0xb8;
	[tilespmem:$0x1B200] =	vst v63  }
0x8f: {  	s7 =	sadd.s32 $0x1020, s3  }
0x90: {  	[tilespmem:s28], [sflag:$0x1] =	stream.indirect.gather [hbm4b:s1+s20], $0x80, s7, s20, $0xb8;
	[tilespmem:$0x1B200] =	vst v63  }
0x91: {  	_ = 	snop  }
0x92: {  	[tilespmem:s30], [sflag:$0x1] =	stream.indirect.gather [hbm4b:s6+s20], $0x80, s29, s20, $0xb8;
	[tilespmem:$0x1B200] =	vst v63  }
0x93: {  	s15 =	sadd.s32 $0x1030, s3  }
0x94: {  	[tilespmem:s31], [sflag:$0x1] =	stream.indirect.gather [hbm4b:s1+s20], $0x80, s15, s20, $0xb8;
	[tilespmem:$0x1B200] =	vst v63  }
0x95: {  	_ = 	snop  }
0x96: {  	[tilespmem:s2], [sflag:$0x1] =	stream.indirect.gather [hbm4b:s6+s20], $0x80, s0, s20, $0xb8;
	[tilespmem:$0x1B200] =	vst v63  }
0x97: {  	_ =	swait.ge [sflag:s19], $0x800  }
0x98: {  	[sflag:s19] =	ssyncset.done $0x0  }
0x99: {  	[sflag:s19] =	ssyncadd.s32 $0xFFFFF800  }
0x9a: {  	_ =	swait.ge [sflag:s19], $0x800  }
0x9b: {  	[sflag:s19] =	ssyncset.done $0x0  }
0x9c: {  	[sflag:s19] =	ssyncadd.s32 $0xFFFFF800  }
0x9d: {  	_ =	swait.ge [sflag:s19], $0x800  }
0x9e: {  	[sflag:s19] =	ssyncset.done $0x0  }
0x9f: {  	[sflag:s19] =	ssyncadd.s32 $0xFFFFF800  }
0xa0: {  	_ =	swait.ge [sflag:s19], $0x800  }
0xa1: {  	[sflag:s19] =	ssyncset.done $0x0  }
0xa2: {  	[sflag:s19] =	ssyncadd.s32 $0xFFFFF800  }
0xa3: {  	_ =	swait.ge [sflag:s19], $0x800  }
0xa4: {  	[sflag:s19] =	ssyncset.done $0x0  }
0xa5: {  	[sflag:s19] =	ssyncadd.s32 $0xFFFFF800  }
0xa6: {  	_ =	swait.ge [sflag:s19], $0x800  }
0xa7: {  	[sflag:s19] =	ssyncset.done $0x0  }
0xa8: {  	[sflag:s19] =	ssyncadd.s32 $0xFFFFF800  }
0xa9: {  	_ =	swait.ge [sflag:s19], $0x800  }
0xaa: {  	[sflag:s19] =	ssyncset.done $0x0  }
0xab: {  	[sflag:s19] =	ssyncadd.s32 $0xFFFFF800  }
0xac: {  	_ =	swait.ge [sflag:s19], $0x800  }
0xad: {  	[sflag:s19] =	ssyncset.done $0x0  }
0xae: {  	s7 =	simm.s32 $0x0;
	[sflag:s19] =	ssyncadd.s32 $0xFFFFF800  }
.LBB2_6:
0xaf: {  	s4 =	sshll.u32 s7, $0x4  }
0xb0: {  	s15 =	simm.s32 $0x0;
	v8 =	vmov s4  }
0xb1: {  	s4 =	sor.u32 s3, s4;
	v26 =	vadd.s32 s15, v1;
	v8 =	vshll.u32 v8, $0x7  }
0xb2: {  	v10 =	vld [tilespmem:s4+$0x2100];
	v27 =	vand.u32 $0xF, v26;
	v9 =	vor.u32 v5, v8  }
0xb3: {  	v11 =	vor.u32 v9, v27;
	_ =	sdelay $0x3  }
0xb4: {  	v8 =	vshll.u32 v10, $0x7  }
0xb5: {  	v10 =	vor.u32 $0x10, v9;
	v19 =	vor.u32 v8, v27;
	v12 =	vld.idx.msk [tilespmem:v11+s21+$0x0], $0xffff  }
0xb6: {  	v13 =	vor.u32 v10, v26;
	_ =	sdelay $0x2  }
0xb7: {  	v24 =	vld [tilespmem:s4+$0x1880]  }
0xb8: {  	v11 =	vor.u32 $0x10, v8;
	[tilespmem:v19+s12+$0x0] =	vst.idx.add.f32.msk $0xffff, v12  }
0xb9: {  	v15 =	vor.u32 v11, v26;
	v12 =	vor.u32 $0x20, v9;
	v14 =	vld.idx.msk [tilespmem:v13+s21+$0x0], $0xffff  }
0xba: {  	v16 =	vor.u32 v12, v27;
	_ =	sdelay $0x3  }
0xbb: {  	v13 =	vor.u32 $0x20, v8;
	[tilespmem:v15+s12+$0x0] =	vst.idx.add.f32.msk $0xffff, v14  }
0xbc: {  	v17 =	vor.u32 v13, v27;
	v14 =	vor.u32 $0x30, v9;
	v16 =	vld.idx.msk [tilespmem:v16+s21+$0x0], $0xffff  }
0xbd: {  	v18 =	vor.u32 v14, v26;
	_ =	sdelay $0x3  }
0xbe: {  	v15 =	vor.u32 $0x30, v8;
	[tilespmem:v17+s12+$0x0] =	vst.idx.add.f32.msk $0xffff, v16  }
0xbf: {  	v20 =	vor.u32 v15, v26;
	v16 =	vor.u32 $0x40, v9;
	v18 =	vld.idx.msk [tilespmem:v18+s21+$0x0], $0xffff  }
0xc0: {  	v21 =	vor.u32 v16, v27;
	_ =	sdelay $0x3  }
0xc1: {  	v17 =	vor.u32 $0x40, v8;
	[tilespmem:v20+s12+$0x0] =	vst.idx.add.f32.msk $0xffff, v18  }
0xc2: {  	v22 =	vor.u32 v17, v27;
	v18 =	vor.u32 $0x50, v9;
	v21 =	vld.idx.msk [tilespmem:v21+s21+$0x0], $0xffff  }
0xc3: {  	v23 =	vor.u32 v18, v26;
	_ =	sdelay $0x3  }
0xc4: {  	v20 =	vor.u32 $0x50, v8;
	[tilespmem:v22+s12+$0x0] =	vst.idx.add.f32.msk $0xffff, v21  }
0xc5: {  	v25 =	vor.u32 v20, v26;
	v21 =	vor.u32 $0x60, v9;
	v23 =	vld.idx.msk [tilespmem:v23+s21+$0x0], $0xffff  }
0xc6: {  	v28 =	vor.u32 v21, v27;
	_ =	sdelay $0x3  }
0xc7: {  	v22 =	vor.u32 $0x60, v8;
	[tilespmem:v25+s12+$0x0] =	vst.idx.add.f32.msk $0xffff, v23  }
0xc8: {  	v23 =	vor.u32 $0x70, v9;
	v25 =	vld.idx.msk [tilespmem:v28+s21+$0x0], $0xffff;
	v28 =	vor.u32 v22, v27  }
0xc9: {  	v29 =	vor.u32 v23, v26;
	_ =	sdelay $0x2  }
0xca: {  	v24 =	vshll.u32 v24, $0x4  }
0xcb: {  	v30 =	vand.u32 $0x70, v24;
	v24 =	vor.u32 $0x70, v8;
	[tilespmem:v28+s12+$0x0] =	vst.idx.add.f32.msk $0xffff, v25  }
0xcc: {  	v26 =	vor.u32 v24, v26;
	v25 =	vor.u32 v9, v30;
	v28 =	vld.idx.msk [tilespmem:v29+s21+$0x0], $0xffff  }
0xcd: {  	v27 =	vor.u32 v27, v25;
	_ =	sdelay $0x3  }
0xce: {  	s15 =	simm.s32 $0x1;
	[tilespmem:v26+s12+$0x0] =	vst.idx.add.f32.msk $0xffff, v28  }
0xcf: {  	v26 =	vadd.s32 s15, v1;
	s15 =	simm.s32 $0x2;
	v27 =	vld.idx.msk [tilespmem:v27+s23+$0x0], $0xffff  }
.LBB2_7:
0xd0: {  	p0 =	sne.s32 s15, $0xF;
	v28 =	vand.u32 $0xF, v26  }
0xd1: {  	v29 =	vor.u32 v9, v28;
	_ =	sdelay $0x3  }
0xd2: {  	[tilespmem:v19+s14+$0x0] =	vst.idx.add.f32.msk $0xffff, v27  }
0xd3: {  	v27 =	vld.idx.msk [tilespmem:v29+s21+$0x0], $0xffff  }
0xd4: {  	v19 =	vor.u32 v8, v28  }
0xd5: {  	v29 =	vor.u32 v10, v26;
	_ =	sdelay $0x3  }
0xd6: {  	[tilespmem:v19+s12+$0x0] =	vst.idx.add.f32.msk $0xffff, v27  }
0xd7: {  	v27 =	vld.idx.msk [tilespmem:v29+s21+$0x0], $0xffff  }
0xd8: {  	v29 =	vor.u32 v11, v26  }
0xd9: {  	v30 =	vor.u32 v12, v28;
	_ =	sdelay $0x3  }
0xda: {  	[tilespmem:v29+s12+$0x0] =	vst.idx.add.f32.msk $0xffff, v27  }
0xdb: {  	v27 =	vld.idx.msk [tilespmem:v30+s21+$0x0], $0xffff  }
0xdc: {  	v29 =	vor.u32 v13, v28  }
0xdd: {  	v30 =	vor.u32 v14, v26;
	_ =	sdelay $0x3  }
0xde: {  	[tilespmem:v29+s12+$0x0] =	vst.idx.add.f32.msk $0xffff, v27  }
0xdf: {  	v27 =	vld.idx.msk [tilespmem:v30+s21+$0x0], $0xffff  }
0xe0: {  	v29 =	vor.u32 v15, v26  }
0xe1: {  	v30 =	vor.u32 v16, v28;
	_ =	sdelay $0x3  }
0xe2: {  	[tilespmem:v29+s12+$0x0] =	vst.idx.add.f32.msk $0xffff, v27  }
0xe3: {  	v27 =	vld.idx.msk [tilespmem:v30+s21+$0x0], $0xffff  }
0xe4: {  	v29 =	vor.u32 v17, v28  }
0xe5: {  	v30 =	vor.u32 v18, v26;
	_ =	sdelay $0x3  }
0xe6: {  	[tilespmem:v29+s12+$0x0] =	vst.idx.add.f32.msk $0xffff, v27  }
0xe7: {  	v27 =	vld.idx.msk [tilespmem:v30+s21+$0x0], $0xffff  }
0xe8: {  	v29 =	vor.u32 v20, v26  }
0xe9: {  	v30 =	vor.u32 v21, v28;
	_ =	sdelay $0x3  }
0xea: {  	[tilespmem:v29+s12+$0x0] =	vst.idx.add.f32.msk $0xffff, v27  }
0xeb: {  	v27 =	vld.idx.msk [tilespmem:v30+s21+$0x0], $0xffff  }
0xec: {  	v29 =	vor.u32 v22, v28  }
0xed: {  	v30 =	vor.u32 v23, v26;
	_ =	sdelay $0x3  }
0xee: {  	[tilespmem:v29+s12+$0x0] =	vst.idx.add.f32.msk $0xffff, v27  }
0xef: {  	v27 =	vld.idx.msk [tilespmem:v30+s21+$0x0], $0xffff  }
0xf0: {  	v26 =	vor.u32 v24, v26  }
0xf1: {  	v28 =	vor.u32 v28, v25  }
.Ltmp6:
0xf2: {  	(pc) =	sbr.rel @p0 .LBB2_7-.Ltmp6, $3  }
0xf3: {  	_ =	sdelay $0x1  }
0xf4: {  	[tilespmem:v26+s12+$0x0] =	vst.idx.add.f32.msk $0xffff, v27  }
0xf5: {  	v26 =	vadd.s32 s15, v1;
	s15 =	sadd.s32 $0x1, s15;
	v27 =	vld.idx.msk [tilespmem:v28+s23+$0x0], $0xffff  }
0xf6: {  	v28 =	vand.u32 $0xF, v26  }
0xf7: {  	v9 =	vor.u32 v9, v28;
	_ =	sdelay $0x3  }
0xf8: {  	[tilespmem:v19+s14+$0x0] =	vst.idx.add.f32.msk $0xffff, v27  }
0xf9: {  	v49 =	vor.u32 v8, v28;
	v9 =	vld.idx.msk [tilespmem:v9+s21+$0x0], $0xffff  }
0xfa: {  	v10 =	vor.u32 v10, v26;
	_ =	sdelay $0x3  }
0xfb: {  	[tilespmem:v49+s12+$0x0] =	vst.idx.add.f32.msk $0xffff, v9  }
0xfc: {  	v50 =	vor.u32 v11, v26;
	v9 =	vld.idx.msk [tilespmem:v10+s21+$0x0], $0xffff  }
0xfd: {  	v51 =	vor.u32 v12, v28;
	_ =	sdelay $0x3  }
0xfe: {  	[tilespmem:v50+s12+$0x0] =	vst.idx.add.f32.msk $0xffff, v9  }
0xff: {  	v52 =	vor.u32 v13, v28;
	v9 =	vld.idx.msk [tilespmem:v51+s21+$0x0], $0xffff  }
0x100: {  	v53 =	vor.u32 v14, v26;
	_ =	sdelay $0x3  }
0x101: {  	[tilespmem:v52+s12+$0x0] =	vst.idx.add.f32.msk $0xffff, v9  }
0x102: {  	v54 =	vor.u32 v15, v26;
	v9 =	vld.idx.msk [tilespmem:v53+s21+$0x0], $0xffff  }
0x103: {  	v55 =	vor.u32 v16, v28;
	_ =	sdelay $0x3  }
0x104: {  	[tilespmem:v54+s12+$0x0] =	vst.idx.add.f32.msk $0xffff, v9  }
0x105: {  	v56 =	vor.u32 v17, v28;
	v9 =	vld.idx.msk [tilespmem:v55+s21+$0x0], $0xffff  }
0x106: {  	v57 =	vor.u32 v18, v26;
	_ =	sdelay $0x3  }
0x107: {  	[tilespmem:v56+s12+$0x0] =	vst.idx.add.f32.msk $0xffff, v9  }
0x108: {  	v58 =	vor.u32 v20, v26;
	v9 =	vld.idx.msk [tilespmem:v57+s21+$0x0], $0xffff  }
0x109: {  	v59 =	vor.u32 v21, v28;
	_ =	sdelay $0x3  }
0x10a: {  	[tilespmem:v58+s12+$0x0] =	vst.idx.add.f32.msk $0xffff, v9  }
0x10b: {  	v60 =	vor.u32 v22, v28;
	v9 =	vld.idx.msk [tilespmem:v59+s21+$0x0], $0xffff  }
0x10c: {  	v61 =	vor.u32 v23, v26;
	_ =	sdelay $0x3  }
0x10d: {  	[tilespmem:v60+s12+$0x0] =	vst.idx.add.f32.msk $0xffff, v9  }
0x10e: {  	v62 =	vor.u32 v24, v26;
	v9 =	vld.idx.msk [tilespmem:v61+s21+$0x0], $0xffff  }
0x10f: {  	v63 =	vor.u32 v28, v25;
	_ =	sdelay $0x3  }
0x110: {  	[tilespmem:v62+s12+$0x0] =	vst.idx.add.f32.msk $0xffff, v9  }
0x111: {  	s7 =	sadd.s32 $0x1, s7;
	v9 =	vld.idx.msk [tilespmem:v63+s23+$0x0], $0xffff  }
0x112: {  	v8 =	vor.u32 v6, v8;
	p0 =	sne.s32 s7, $0x4  }
.Ltmp7:
0x113: {  	_ = 	snop;
	(pc) =	sbr.rel @p0 .LBB2_6-.Ltmp7, $3  }
0x114: {  	_ =	sdelay $0x1  }
0x115: {  	[tilespmem:v49+s14+$0x0] =	vst.idx.add.f32.msk $0xffff, v9  }
0x116: {  	[tilespmem:v8+s14+$0x0] =	vst.idx.add.f32.msk $0xffff, v7  }
0x117: {  	s11 =	sadd.s32 $0x1, s11  }
0x118: {  	p0 =	sne.s32 s11, s10  }
.Ltmp8:
0x119: {  	_ = 	snop;
	(pc) =	sbr.rel @p0 .LBB2_5-.Ltmp8, $4  }
.Ltmp9:
0x11a: {  	_ = 	snop;
	(pc) =	sbr.rel @!p0 .LBB2_10-.Ltmp9, $4  }
0x11b: {  	_ = 	snop  }
0x11c: {  	_ = 	snop  }
0x11d: {  	_ = 	snop  }
0x11e: {  	_ = 	snop  }
.LBB2_12:
0x11f: {  	_ =	sfence.sel $0x180000  }
0x120: {  	[bflag:$0x0] =	sbarrier.arrive $0xFFFF  }
0x121: {  	_ =	strace $0x90000047  }
0x122: {  	s0 =	stileid.u32;
	[bflag:$0x2] =	sbarrier.arrive $0xFFFF  }
0x123: {  	p0 =	sne.s32 s0, $0x0;
	s0 =	rddreg [dreg:$0x2]  }
0x124: {  	s0 =	sadd.s32 @!p0 $0x100000, s0  }
0x125: {  	[sflag:s0] =	ssyncadd.tile.s32 @!p0 $0x1;
	_ =	shalt  }
.Lfunc_end2:
_tile_overlayer_lowered:
.L_overlay_start_2:
0x126: {  	(tag) =	ssettag $0x2  }
0x127: {  	s0 =	rddreg [dreg:$0x0];
	s2 =	stileid.u32  }
0x128: {  	s1 =	rddreg [dreg:$0x1];
	p0 =	sne.s32 s2, $0x0  }
0x129: {  	s3 =	rddreg [dreg:$0x2];
	[bflag:$0x3] =	sbarrier.arrive $0xFFFF;
	s2 =	simm.s32 @!p0 $0x1C02  }
0x12a: {  	[timem:s3], [sflag:s2] =	dma.local @!p0 [hbm:s0], s1  }
0x12b: {  	s0 =	simm.s32 @!p0 $0x2  }
0x12c: {  	_ =	swait.ge @!p0 [sflag:s0], s1  }
0x12d: {  	s1 =	ssub.s32 @!p0 $0x0, s1;
	[sflag:s0] =	ssyncset.done @!p0 $0x0  }
0x12e: {  	[sflag:s0] =	ssyncadd.s32 @!p0 s1  }
0x12f: {  	[bflag:$0x3] =	sbarrier.arrive $0xFFFF  }
0x130: {  	_ =	shalt  }

</sc_bundles>
